<compile_context>
chip_gen: v7x
topology: tpu7x:2x2x1
jax: 0.10.2.dev20260603
libtpu: 0.0.44.dev20260713+nightly
codegen_flags: <defaults>
</compile_context>

<pallas_src>
import functools

import jax
import jax.numpy as jnp
from jax import lax
from jax.experimental import pallas as pl
from jax.experimental.pallas import tpu as pltpu
from jax.experimental.pallas import tpu_sc as plsc

N_NODES = 10000
NP = 10112
D_FEAT = 128
H = 32
NW = 32
NS = 16
CH = 128
K = 80
CB = 8
BS = CB * CH
KB = K // CB
EPW = K * CH
EP = NW * EPW
RPT = NP // NS
BR = 1000
GRID = 10

_mesh = plsc.VectorSubcoreMesh(core_axis_name="c", subcore_axis_name="s")



@functools.partial(
    pl.kernel,
    mesh=_mesh,
    out_type=jax.ShapeDtypeStruct((2, NP), jnp.float32),
    scratch_types=[
        pltpu.VMEM((KB, BS), jnp.int32),
        pltpu.VMEM((BS,), jnp.float32),
        pltpu.VMEM_SHARED((NP,), jnp.float32),
    ],
    compiler_params=pltpu.CompilerParams(use_tc_tiling_on_sc=False),
)
def _deg_kernel(zeros_hbm, dst_hbm, out_hbm, dst_v, ones_v, deg_sh):
    c = lax.axis_index("c")
    s = lax.axis_index("s")
    wid = c * NS + s
    r0 = s * RPT
    pltpu.sync_copy(zeros_hbm, deg_sh.at[pl.ds(r0, RPT)])
    pltpu.sync_copy(dst_hbm.at[wid], dst_v)
    for j in range(BS // 16):
        ones_v[pl.ds(j * 16, 16)] = jnp.ones((16,), jnp.float32)
    plsc.subcore_barrier()

    def body(k, carry):
        pltpu.sync_copy(ones_v, deg_sh.at[dst_v.at[k]], add=True)
        return carry

    lax.fori_loop(0, KB, body, 0)
    plsc.subcore_barrier()
    pltpu.sync_copy(deg_sh.at[pl.ds(r0, RPT)], out_hbm.at[c, pl.ds(r0, RPT)])



@functools.partial(
    pl.kernel,
    mesh=_mesh,
    out_type=jax.ShapeDtypeStruct((2, NP, H), jnp.float32),
    scratch_types=[
        pltpu.VMEM((KB, BS), jnp.int32),
        pltpu.VMEM((KB, BS), jnp.int32),
        pltpu.VMEM((2, BS, H), jnp.float32),
        pltpu.VMEM_SHARED((NP, H), jnp.float32),
        pltpu.VMEM_SHARED((NP, H), jnp.float32),
        pltpu.SemaphoreType.DMA,
        pltpu.SemaphoreType.DMA,
    ],
    compiler_params=pltpu.CompilerParams(use_tc_tiling_on_sc=False),
)
def _scatter_kernel(hs_hbm, zeros_hbm, src_hbm, dst_hbm, out_hbm,
                    src_v, dst_v, rowbuf, acc_sh, hs_sh, sem0, sem1):
    c = lax.axis_index("c")
    s = lax.axis_index("s")
    wid = c * NS + s
    r0 = s * RPT

    @pl.when(c == 0)
    def _():
        pltpu.sync_copy(hs_hbm.at[pl.ds(r0, RPT)], acc_sh.at[pl.ds(r0, RPT)])

    @pl.when(c != 0)
    def _():
        pltpu.sync_copy(zeros_hbm, acc_sh.at[pl.ds(r0, RPT)])

    pltpu.sync_copy(hs_hbm.at[pl.ds(r0, RPT)], hs_sh.at[pl.ds(r0, RPT)])
    pltpu.sync_copy(src_hbm.at[wid], src_v)
    pltpu.sync_copy(dst_hbm.at[wid], dst_v)
    plsc.subcore_barrier()

    pltpu.async_copy(hs_sh.at[src_v.at[0]], rowbuf.at[0], sem0)

    def body(j, carry):
        j0 = 2 * j
        j1 = j0 + 1
        pltpu.async_copy(hs_sh.at[src_v.at[j1]], rowbuf.at[1], sem1)
        pltpu.make_async_copy(hs_sh.at[src_v.at[j0]], rowbuf.at[0], sem0).wait()
        pltpu.sync_copy(rowbuf.at[0], acc_sh.at[dst_v.at[j0]], add=True)

        @pl.when(j < KB // 2 - 1)
        def _():
            pltpu.async_copy(hs_sh.at[src_v.at[j0 + 2]], rowbuf.at[0], sem0)

        pltpu.make_async_copy(hs_sh.at[src_v.at[j1]], rowbuf.at[1], sem1).wait()
        pltpu.sync_copy(rowbuf.at[1], acc_sh.at[dst_v.at[j1]], add=True)
        return carry

    lax.fori_loop(0, KB // 2, body, 0)
    plsc.subcore_barrier()
    pltpu.sync_copy(acc_sh.at[pl.ds(r0, RPT)], out_hbm.at[c, pl.ds(r0, RPT)])



def _dis_block(degt_ref):
    d = degt_ref[:, 0:1] + degt_ref[:, 1:2] + 1.0
    return lax.rsqrt(d)


def _tc1_body(x_ref, degt_ref, w1_ref, out_ref):
    dis = _dis_block(degt_ref)[0:N_NODES]
    h = jnp.dot(x_ref[...], w1_ref[...], preferred_element_type=jnp.float32)
    out_ref[0:N_NODES, :] = h * dis


def _tc2_body(accp_ref, degt_ref, b1_ref, wmv_ref, out_ref):
    dis = _dis_block(degt_ref)[0:N_NODES]
    acc = accp_ref[0, 0:N_NODES, :] + accp_ref[1, 0:N_NODES, :]
    h = jnp.maximum(acc * dis + b1_ref[...], 0.0)
    h2 = jnp.dot(h, wmv_ref[...], preferred_element_type=jnp.float32)
    out_ref[0:N_NODES, :] = h2 * dis


def _tc3_body(accp_ref, degt_ref, bmv_ref, out_ref):
    dis = _dis_block(degt_ref)[0:N_NODES]
    acc = accp_ref[0, 0:N_NODES, :] + accp_ref[1, 0:N_NODES, :]
    out_ref[0:N_NODES, :] = acc * dis + bmv_ref[...]


def _tc1(x, degt, w1):
    return pl.pallas_call(
        _tc1_body,
        out_shape=jax.ShapeDtypeStruct((NP, H), jnp.float32),
    )(x, degt, w1)


def _tc2(accp, degt, b1r, wmv):
    return pl.pallas_call(
        _tc2_body,
        out_shape=jax.ShapeDtypeStruct((NP, H), jnp.float32),
    )(accp, degt, b1r, wmv)


def _tc3(accp, degt, bmvr):
    return pl.pallas_call(
        _tc3_body,
        out_shape=jax.ShapeDtypeStruct((NP, H), jnp.float32),
    )(accp, degt, bmvr)



def kernel(features, edge_index, W1, b1, Wm, bm, Wv, bv):
    pad_e = EP - edge_index.shape[1]
    src = jnp.concatenate(
        [edge_index[0], jnp.zeros((pad_e,), jnp.int32)]).reshape(NW, KB, BS)
    dst = jnp.concatenate(
        [edge_index[1], jnp.full((pad_e,), N_NODES, jnp.int32)]).reshape(NW, KB, BS)

    zeros1 = jnp.zeros((RPT,), jnp.float32)
    zeros2 = jnp.zeros((RPT, H), jnp.float32)
    wmv = jnp.concatenate([Wm, Wv], axis=1)
    b1r = b1.reshape(1, H)
    bmvr = jnp.concatenate([bm, bv]).reshape(1, H)

    degp = _deg_kernel(zeros1, dst)
    degt = degp.T

    hs1 = _tc1(features, degt, W1)
    acc1 = _scatter_kernel(hs1, zeros2, src, dst)
    hs2 = _tc2(acc1, degt, b1r, wmv)
    acc2 = _scatter_kernel(hs2, zeros2, src, dst)
    out = _tc3(acc2, degt, bmvr)

    return (out[:N_NODES, :16], out[:N_NODES, 16:])

# --- scband reference (transcript-rebuilt; emitter-appended) ---
"""Pipeline reference for scband-vgae-encoder-16569983828163 (READ-ONLY COPY).

The authoritative reference and input builder live on the scoring server;
editing this copy changes nothing except your own understanding.
"""

import jax, jax.numpy as jnp
import numpy as np

N_NODES = 10000
N_EDGES = 320000
D_FEAT = 128
LATENT = 16
HIDDEN = 2 * LATENT


def setup_inputs(seed: int = 0) -> dict:
    key = jax.random.key(seed)
    ks = jax.random.split(key, 8)
    features = jax.random.normal(ks[0], (N_NODES, D_FEAT), dtype=jnp.float32)
    edge_index = jax.random.randint(ks[1], (2, N_EDGES), 0, N_NODES, dtype=jnp.int32)
    W1 = jax.random.normal(ks[2], (D_FEAT, HIDDEN), dtype=jnp.float32) / np.sqrt(D_FEAT)
    b1 = jnp.zeros((HIDDEN,), dtype=jnp.float32)
    Wm = jax.random.normal(ks[3], (HIDDEN, LATENT), dtype=jnp.float32) / np.sqrt(HIDDEN)
    bm = jnp.zeros((LATENT,), dtype=jnp.float32)
    Wv = jax.random.normal(ks[4], (HIDDEN, LATENT), dtype=jnp.float32) / np.sqrt(HIDDEN)
    bv = jnp.zeros((LATENT,), dtype=jnp.float32)
    return {"features": features, "edge_index": edge_index, "W1": W1, "b1": b1,
            "Wm": Wm, "bm": bm, "Wv": Wv, "bv": bv}


def _gcn_conv(x, src, dst, norm, W, b, n_nodes):
    # x: [N, in], W: [in, out]
    h = x @ W
    msgs = h[src] * norm[:, None]
    out = jnp.zeros((n_nodes, h.shape[1]), dtype=h.dtype).at[dst].add(msgs)
    return out + b


def _build_graph(edge_index, n_nodes):
    # add self loops (PyG GCNConv default) and compute symmetric normalization
    loop = jnp.arange(n_nodes, dtype=edge_index.dtype)
    src = jnp.concatenate([edge_index[0], loop])
    dst = jnp.concatenate([edge_index[1], loop])
    deg = jnp.zeros((n_nodes,), dtype=jnp.float32).at[dst].add(1.0)
    dis = jnp.where(deg > 0, deg ** -0.5, 0.0)
    norm = dis[src] * dis[dst]
    return src, dst, norm


def reference(features, edge_index, W1, b1, Wm, bm, Wv, bv):
    n_nodes = features.shape[0]
    src, dst, norm = _build_graph(edge_index, n_nodes)
    h = jax.nn.relu(_gcn_conv(features, src, dst, norm, W1, b1, n_nodes))
    mean = _gcn_conv(h, src, dst, norm, Wm, bm, n_nodes)
    var = _gcn_conv(h, src, dst, norm, Wv, bv, n_nodes)
    return (mean, var)

if __name__ == "__main__":
    import jax
    _d = setup_inputs()
    print(jax.jit(kernel)(*tuple(_d.values())))

</pallas_src>

<mosaic_0001>
#map = affine_map<(d0, d1) -> (0, 0)>
#map1 = affine_map<(d0, d1) -> (0, 0, 0)>
module attributes {stable_mosaic.version = 14 : i64} {
  func.func @_scatter_kernel(%arg0: i32, %arg1: i32, %arg2: memref<10112x32xf32, #tpu.memory_space<hbm>>, %arg3: memref<632x32xf32, #tpu.memory_space<hbm>>, %arg4: memref<32x10x1024xi32, #tpu.memory_space<hbm>>, %arg5: memref<32x10x1024xi32, #tpu.memory_space<hbm>>, %arg6: memref<2x10112x32xf32, #tpu.memory_space<hbm>>, %arg7: memref<10x1024xi32, #tpu.memory_space<vmem>>, %arg8: memref<10x1024xi32, #tpu.memory_space<vmem>>, %arg9: memref<2x1024x32xf32, #tpu.memory_space<vmem>>, %arg10: memref<10112x32xf32, #tpu.memory_space<vmem_shared>>, %arg11: memref<10112x32xf32, #tpu.memory_space<vmem_shared>>, %arg12: memref<!tpu.dma_semaphore, #tpu.memory_space<semaphore_mem>>, %arg13: memref<!tpu.dma_semaphore, #tpu.memory_space<semaphore_mem>>) attributes {dimension_semantics = [#tpu.dimension_semantics<core_parallel>, #tpu.dimension_semantics<subcore_parallel>], iteration_bounds = array<i64: 2, 16>, scalar_prefetch = 0 : i64, scratch_operands = 7 : i64, tpu.core_type = #tpu.core_type<sc_vector_subcore>, window_params = [{transform_indices = #map}, {transform_indices = #map}, {transform_indices = #map1}, {transform_indices = #map1}, {transform_indices = #map1}]} {
    %mul3A = arith.constant 16 : i32
    %mul3A_0 = arith.muli %arg0, %mul3A : i32
    %add3A = arith.addi %mul3A_0, %arg1 : i32
    %mul3A_1 = arith.constant 632 : i32
    %mul3A_2 = arith.muli %arg1, %mul3A_1 : i32
    %eq3A = arith.constant 0 : i32
    %eq3A_3 = arith.cmpi eq, %arg0, %eq3A : i32
    %convert_element_type3A = arith.extui %eq3A_3 : i1 to i32
    %cond3A = arith.constant 0 : i32
    %cond3A_4 = arith.cmpi ne, %convert_element_type3A, %cond3A : i32
    scf.if %cond3A_4 {
      "tpu.region"() ({
        %run_scoped3A = tpu.sem_alloc : memref<!tpu.dma_semaphore, #tpu.memory_space<semaphore_mem>>
        %dma_start3A_26 = arith.constant 0 : i32
        %dma_start3A_27 = tpu.memref_slice %arg10[%mul3A_2, %dma_start3A_26] : memref<10112x32xf32, #tpu.memory_space<vmem_shared>> -> memref<632x32xf32, #tpu.memory_space<vmem_shared>>
        %dma_start3A_28 = arith.constant 0 : i32
        %dma_start3A_29 = tpu.memref_slice %arg2[%mul3A_2, %dma_start3A_28] : memref<10112x32xf32, #tpu.memory_space<hbm>> -> memref<632x32xf32, #tpu.memory_space<hbm>>
        tpu.enqueue_dma source(%dma_start3A_29 : memref<632x32xf32, #tpu.memory_space<hbm>>) target(%dma_start3A_27 : memref<632x32xf32, #tpu.memory_space<vmem_shared>>) target_semaphore(%run_scoped3A : memref<!tpu.dma_semaphore, #tpu.memory_space<semaphore_mem>>)
        %dma_wait3A = arith.constant 0 : i32
        %dma_wait3A_30 = tpu.memref_slice %arg10[%mul3A_2, %dma_wait3A] : memref<10112x32xf32, #tpu.memory_space<vmem_shared>> -> memref<632x32xf32, #tpu.memory_space<vmem_shared>>
        %dma_wait3A_31 = arith.constant 0 : i32
        %dma_wait3A_32 = tpu.memref_slice %arg2[%mul3A_2, %dma_wait3A_31] : memref<10112x32xf32, #tpu.memory_space<hbm>> -> memref<632x32xf32, #tpu.memory_space<hbm>>
        tpu.wait_dma2 semaphore(%run_scoped3A : memref<!tpu.dma_semaphore, #tpu.memory_space<semaphore_mem>>) src(%dma_wait3A_32 : memref<632x32xf32, #tpu.memory_space<hbm>>) dst(%dma_wait3A_30 : memref<632x32xf32, #tpu.memory_space<vmem_shared>>)
        tpu.yield
      }) : () -> ()
    } else {
    }
    %ne3A = arith.constant 0 : i32
    %ne3A_5 = arith.cmpi ne, %arg0, %ne3A : i32
    %convert_element_type3A_6 = arith.extui %ne3A_5 : i1 to i32
    %cond3A_7 = arith.constant 0 : i32
    %cond3A_8 = arith.cmpi ne, %convert_element_type3A_6, %cond3A_7 : i32
    scf.if %cond3A_8 {
      "tpu.region"() ({
        %run_scoped3A = tpu.sem_alloc : memref<!tpu.dma_semaphore, #tpu.memory_space<semaphore_mem>>
        %dma_start3A_26 = arith.constant 0 : i32
        %dma_start3A_27 = tpu.memref_slice %arg10[%mul3A_2, %dma_start3A_26] : memref<10112x32xf32, #tpu.memory_space<vmem_shared>> -> memref<632x32xf32, #tpu.memory_space<vmem_shared>>
        tpu.enqueue_dma source(%arg3 : memref<632x32xf32, #tpu.memory_space<hbm>>) target(%dma_start3A_27 : memref<632x32xf32, #tpu.memory_space<vmem_shared>>) target_semaphore(%run_scoped3A : memref<!tpu.dma_semaphore, #tpu.memory_space<semaphore_mem>>)
        %dma_wait3A = arith.constant 0 : i32
        %dma_wait3A_28 = tpu.memref_slice %arg10[%mul3A_2, %dma_wait3A] : memref<10112x32xf32, #tpu.memory_space<vmem_shared>> -> memref<632x32xf32, #tpu.memory_space<vmem_shared>>
        tpu.wait_dma2 semaphore(%run_scoped3A : memref<!tpu.dma_semaphore, #tpu.memory_space<semaphore_mem>>) src(%arg3 : memref<632x32xf32, #tpu.memory_space<hbm>>) dst(%dma_wait3A_28 : memref<632x32xf32, #tpu.memory_space<vmem_shared>>)
        tpu.yield
      }) : () -> ()
    } else {
    }
    "tpu.region"() ({
      %run_scoped3A = tpu.sem_alloc : memref<!tpu.dma_semaphore, #tpu.memory_space<semaphore_mem>>
      %dma_start3A_26 = arith.constant 0 : i32
      %dma_start3A_27 = tpu.memref_slice %arg11[%mul3A_2, %dma_start3A_26] : memref<10112x32xf32, #tpu.memory_space<vmem_shared>> -> memref<632x32xf32, #tpu.memory_space<vmem_shared>>
      %dma_start3A_28 = arith.constant 0 : i32
      %dma_start3A_29 = tpu.memref_slice %arg2[%mul3A_2, %dma_start3A_28] : memref<10112x32xf32, #tpu.memory_space<hbm>> -> memref<632x32xf32, #tpu.memory_space<hbm>>
      tpu.enqueue_dma source(%dma_start3A_29 : memref<632x32xf32, #tpu.memory_space<hbm>>) target(%dma_start3A_27 : memref<632x32xf32, #tpu.memory_space<vmem_shared>>) target_semaphore(%run_scoped3A : memref<!tpu.dma_semaphore, #tpu.memory_space<semaphore_mem>>)
      %dma_wait3A = arith.constant 0 : i32
      %dma_wait3A_30 = tpu.memref_slice %arg11[%mul3A_2, %dma_wait3A] : memref<10112x32xf32, #tpu.memory_space<vmem_shared>> -> memref<632x32xf32, #tpu.memory_space<vmem_shared>>
      %dma_wait3A_31 = arith.constant 0 : i32
      %dma_wait3A_32 = tpu.memref_slice %arg2[%mul3A_2, %dma_wait3A_31] : memref<10112x32xf32, #tpu.memory_space<hbm>> -> memref<632x32xf32, #tpu.memory_space<hbm>>
      tpu.wait_dma2 semaphore(%run_scoped3A : memref<!tpu.dma_semaphore, #tpu.memory_space<semaphore_mem>>) src(%dma_wait3A_32 : memref<632x32xf32, #tpu.memory_space<hbm>>) dst(%dma_wait3A_30 : memref<632x32xf32, #tpu.memory_space<vmem_shared>>)
      tpu.yield
    }) : () -> ()
    "tpu.region"() ({
      %run_scoped3A = tpu.sem_alloc : memref<!tpu.dma_semaphore, #tpu.memory_space<semaphore_mem>>
      %dma_start3A_26 = arith.constant 0 : i32
      %dma_start3A_27 = arith.constant 0 : i32
      %dma_start3A_28 = tpu.memref_slice %arg4[%add3A, %dma_start3A_26, %dma_start3A_27] : memref<32x10x1024xi32, #tpu.memory_space<hbm>> -> memref<1x10x1024xi32, #tpu.memory_space<hbm>>
      %dma_start3A_29 = tpu.memref_squeeze %dma_start3A_28 : memref<1x10x1024xi32, #tpu.memory_space<hbm>> -> memref<10x1024xi32, #tpu.memory_space<hbm>>
      %dma_start3A_30 = arith.constant 0 : i32
      %dma_start3A_31 = arith.constant 0 : i32
      %dma_start3A_32 = tpu.memref_slice %arg4[%add3A, %dma_start3A_30, %dma_start3A_31] : memref<32x10x1024xi32, #tpu.memory_space<hbm>> -> memref<1x10x1024xi32, #tpu.memory_space<hbm>>
      %dma_start3A_33 = tpu.memref_squeeze %dma_start3A_32 : memref<1x10x1024xi32, #tpu.memory_space<hbm>> -> memref<10x1024xi32, #tpu.memory_space<hbm>>
      tpu.enqueue_dma source(%dma_start3A_33 : memref<10x1024xi32, #tpu.memory_space<hbm>>) target(%arg7 : memref<10x1024xi32, #tpu.memory_space<vmem>>) target_semaphore(%run_scoped3A : memref<!tpu.dma_semaphore, #tpu.memory_space<semaphore_mem>>)
      %dma_wait3A = arith.constant 0 : i32
      %dma_wait3A_34 = arith.constant 0 : i32
      %dma_wait3A_35 = tpu.memref_slice %arg4[%add3A, %dma_wait3A, %dma_wait3A_34] : memref<32x10x1024xi32, #tpu.memory_space<hbm>> -> memref<1x10x1024xi32, #tpu.memory_space<hbm>>
      %dma_wait3A_36 = tpu.memref_squeeze %dma_wait3A_35 : memref<1x10x1024xi32, #tpu.memory_space<hbm>> -> memref<10x1024xi32, #tpu.memory_space<hbm>>
      %dma_wait3A_37 = arith.constant 0 : i32
      %dma_wait3A_38 = arith.constant 0 : i32
      %dma_wait3A_39 = tpu.memref_slice %arg4[%add3A, %dma_wait3A_37, %dma_wait3A_38] : memref<32x10x1024xi32, #tpu.memory_space<hbm>> -> memref<1x10x1024xi32, #tpu.memory_space<hbm>>
      %dma_wait3A_40 = tpu.memref_squeeze %dma_wait3A_39 : memref<1x10x1024xi32, #tpu.memory_space<hbm>> -> memref<10x1024xi32, #tpu.memory_space<hbm>>
      tpu.wait_dma2 semaphore(%run_scoped3A : memref<!tpu.dma_semaphore, #tpu.memory_space<semaphore_mem>>) src(%dma_wait3A_40 : memref<10x1024xi32, #tpu.memory_space<hbm>>) dst(%arg7 : memref<10x1024xi32, #tpu.memory_space<vmem>>)
      tpu.yield
    }) : () -> ()
    "tpu.region"() ({
      %run_scoped3A = tpu.sem_alloc : memref<!tpu.dma_semaphore, #tpu.memory_space<semaphore_mem>>
      %dma_start3A_26 = arith.constant 0 : i32
      %dma_start3A_27 = arith.constant 0 : i32
      %dma_start3A_28 = tpu.memref_slice %arg5[%add3A, %dma_start3A_26, %dma_start3A_27] : memref<32x10x1024xi32, #tpu.memory_space<hbm>> -> memref<1x10x1024xi32, #tpu.memory_space<hbm>>
      %dma_start3A_29 = tpu.memref_squeeze %dma_start3A_28 : memref<1x10x1024xi32, #tpu.memory_space<hbm>> -> memref<10x1024xi32, #tpu.memory_space<hbm>>
      %dma_start3A_30 = arith.constant 0 : i32
      %dma_start3A_31 = arith.constant 0 : i32
      %dma_start3A_32 = tpu.memref_slice %arg5[%add3A, %dma_start3A_30, %dma_start3A_31] : memref<32x10x1024xi32, #tpu.memory_space<hbm>> -> memref<1x10x1024xi32, #tpu.memory_space<hbm>>
      %dma_start3A_33 = tpu.memref_squeeze %dma_start3A_32 : memref<1x10x1024xi32, #tpu.memory_space<hbm>> -> memref<10x1024xi32, #tpu.memory_space<hbm>>
      tpu.enqueue_dma source(%dma_start3A_33 : memref<10x1024xi32, #tpu.memory_space<hbm>>) target(%arg8 : memref<10x1024xi32, #tpu.memory_space<vmem>>) target_semaphore(%run_scoped3A : memref<!tpu.dma_semaphore, #tpu.memory_space<semaphore_mem>>)
      %dma_wait3A = arith.constant 0 : i32
      %dma_wait3A_34 = arith.constant 0 : i32
      %dma_wait3A_35 = tpu.memref_slice %arg5[%add3A, %dma_wait3A, %dma_wait3A_34] : memref<32x10x1024xi32, #tpu.memory_space<hbm>> -> memref<1x10x1024xi32, #tpu.memory_space<hbm>>
      %dma_wait3A_36 = tpu.memref_squeeze %dma_wait3A_35 : memref<1x10x1024xi32, #tpu.memory_space<hbm>> -> memref<10x1024xi32, #tpu.memory_space<hbm>>
      %dma_wait3A_37 = arith.constant 0 : i32
      %dma_wait3A_38 = arith.constant 0 : i32
      %dma_wait3A_39 = tpu.memref_slice %arg5[%add3A, %dma_wait3A_37, %dma_wait3A_38] : memref<32x10x1024xi32, #tpu.memory_space<hbm>> -> memref<1x10x1024xi32, #tpu.memory_space<hbm>>
      %dma_wait3A_40 = tpu.memref_squeeze %dma_wait3A_39 : memref<1x10x1024xi32, #tpu.memory_space<hbm>> -> memref<10x1024xi32, #tpu.memory_space<hbm>>
      tpu.wait_dma2 semaphore(%run_scoped3A : memref<!tpu.dma_semaphore, #tpu.memory_space<semaphore_mem>>) src(%dma_wait3A_40 : memref<10x1024xi32, #tpu.memory_space<hbm>>) dst(%arg8 : memref<10x1024xi32, #tpu.memory_space<vmem>>)
      tpu.yield
    }) : () -> ()
    %barrier3A = arith.constant 0 : index
    tpu.barrier barrier_id(%barrier3A)
    %dma_start3A = arith.constant 0 : i32
    %dma_start3A_9 = arith.constant 0 : i32
    %dma_start3A_10 = arith.constant 0 : i32
    %dma_start3A_11 = arith.constant 0 : i32
    %dma_start3A_12 = tpu.memref_slice %arg9[%dma_start3A_9, %dma_start3A_10, %dma_start3A_11] : memref<2x1024x32xf32, #tpu.memory_space<vmem>> -> memref<1x1024x32xf32, #tpu.memory_space<vmem>>
    %dma_start3A_13 = tpu.memref_squeeze %dma_start3A_12 : memref<1x1024x32xf32, #tpu.memory_space<vmem>> -> memref<1024x32xf32, #tpu.memory_space<vmem>>
    %dma_start3A_14 = arith.constant 0 : i32
    %dma_start3A_15 = tpu.memref_slice %arg7[%dma_start3A, %dma_start3A_14] : memref<10x1024xi32, #tpu.memory_space<vmem>> -> memref<1x1024xi32, #tpu.memory_space<vmem>>
    %dma_start3A_16 = tpu.memref_squeeze %dma_start3A_15 : memref<1x1024xi32, #tpu.memory_space<vmem>> -> memref<1024xi32, #tpu.memory_space<vmem>>
    %dma_start3A_17 = arith.constant 0 : i32
    %dma_start3A_18 = arith.constant 0 : i32
    %dma_start3A_19 = tpu.memref_slice %arg11[%dma_start3A_17, %dma_start3A_18] : memref<10112x32xf32, #tpu.memory_space<vmem_shared>> -> memref<10112x32xf32, #tpu.memory_space<vmem_shared>>
    tpu.enqueue_indirect_dma source(%dma_start3A_19 : memref<10112x32xf32, #tpu.memory_space<vmem_shared>>) target(%dma_start3A_13 : memref<1024x32xf32, #tpu.memory_space<vmem>>) offsets(%dma_start3A_16 : memref<1024xi32, #tpu.memory_space<vmem>>) semaphore(%arg12 : memref<!tpu.dma_semaphore, #tpu.memory_space<semaphore_mem>>)
    %scan3A = arith.constant 0 : i32
    %scan3A_20 = arith.constant 0 : i32
    %scan3A_21 = arith.constant 5 : i32
    %scan3A_22 = arith.addi %scan3A_20, %scan3A_21 : i32
    %scan3A_23 = arith.constant 1 : i32
    scf.for %scan3A_26 = %scan3A_20 to %scan3A_22 step %scan3A_23  : i32 {
      %mul3A_27 = arith.constant 2 : i32
      %mul3A_28 = arith.muli %mul3A_27, %scan3A_26 : i32
      %add3A_29 = arith.constant 1 : i32
      %add3A_30 = arith.addi %mul3A_28, %add3A_29 : i32
      %dma_start3A_31 = arith.constant 1 : i32
      %dma_start3A_32 = arith.constant 0 : i32
      %dma_start3A_33 = arith.constant 0 : i32
      %dma_start3A_34 = tpu.memref_slice %arg9[%dma_start3A_31, %dma_start3A_32, %dma_start3A_33] : memref<2x1024x32xf32, #tpu.memory_space<vmem>> -> memref<1x1024x32xf32, #tpu.memory_space<vmem>>
      %dma_start3A_35 = tpu.memref_squeeze %dma_start3A_34 : memref<1x1024x32xf32, #tpu.memory_space<vmem>> -> memref<1024x32xf32, #tpu.memory_space<vmem>>
      %dma_start3A_36 = arith.constant 0 : i32
      %dma_start3A_37 = tpu.memref_slice %arg7[%add3A_30, %dma_start3A_36] : memref<10x1024xi32, #tpu.memory_space<vmem>> -> memref<1x1024xi32, #tpu.memory_space<vmem>>
      %dma_start3A_38 = tpu.memref_squeeze %dma_start3A_37 : memref<1x1024xi32, #tpu.memory_space<vmem>> -> memref<1024xi32, #tpu.memory_space<vmem>>
      %dma_start3A_39 = arith.constant 0 : i32
      %dma_start3A_40 = arith.constant 0 : i32
      %dma_start3A_41 = tpu.memref_slice %arg11[%dma_start3A_39, %dma_start3A_40] : memref<10112x32xf32, #tpu.memory_space<vmem_shared>> -> memref<10112x32xf32, #tpu.memory_space<vmem_shared>>
      tpu.enqueue_indirect_dma source(%dma_start3A_41 : memref<10112x32xf32, #tpu.memory_space<vmem_shared>>) target(%dma_start3A_35 : memref<1024x32xf32, #tpu.memory_space<vmem>>) offsets(%dma_start3A_38 : memref<1024xi32, #tpu.memory_space<vmem>>) semaphore(%arg13 : memref<!tpu.dma_semaphore, #tpu.memory_space<semaphore_mem>>)
      %dma_wait3A = arith.constant 0 : i32
      %dma_wait3A_42 = arith.constant 0 : i32
      %dma_wait3A_43 = arith.constant 0 : i32
      %dma_wait3A_44 = tpu.memref_slice %arg9[%dma_wait3A, %dma_wait3A_42, %dma_wait3A_43] : memref<2x1024x32xf32, #tpu.memory_space<vmem>> -> memref<1x1024x32xf32, #tpu.memory_space<vmem>>
      %dma_wait3A_45 = tpu.memref_squeeze %dma_wait3A_44 : memref<1x1024x32xf32, #tpu.memory_space<vmem>> -> memref<1024x32xf32, #tpu.memory_space<vmem>>
      %dma_wait3A_46 = arith.constant 0 : i32
      %dma_wait3A_47 = tpu.memref_slice %arg7[%mul3A_28, %dma_wait3A_46] : memref<10x1024xi32, #tpu.memory_space<vmem>> -> memref<1x1024xi32, #tpu.memory_space<vmem>>
      %dma_wait3A_48 = tpu.memref_squeeze %dma_wait3A_47 : memref<1x1024xi32, #tpu.memory_space<vmem>> -> memref<1024xi32, #tpu.memory_space<vmem>>
      %dma_wait3A_49 = arith.constant 0 : i32
      %dma_wait3A_50 = arith.constant 0 : i32
      %dma_wait3A_51 = tpu.memref_slice %arg11[%dma_wait3A_49, %dma_wait3A_50] : memref<10112x32xf32, #tpu.memory_space<vmem_shared>> -> memref<10112x32xf32, #tpu.memory_space<vmem_shared>>
      tpu.wait_indirect_dma semaphore(%arg12 : memref<!tpu.dma_semaphore, #tpu.memory_space<semaphore_mem>>) src(%dma_wait3A_51 : memref<10112x32xf32, #tpu.memory_space<vmem_shared>>) dst(%dma_wait3A_45 : memref<1024x32xf32, #tpu.memory_space<vmem>>)
      %run_scoped3A = arith.constant 0 : i32
      "tpu.region"() ({
        %run_scoped3A_68 = tpu.sem_alloc : memref<!tpu.dma_semaphore, #tpu.memory_space<semaphore_mem>>
        %dma_start3A_69 = arith.constant 0 : i32
        %dma_start3A_70 = arith.constant 0 : i32
        %dma_start3A_71 = tpu.memref_slice %arg9[%run_scoped3A, %dma_start3A_69, %dma_start3A_70] : memref<2x1024x32xf32, #tpu.memory_space<vmem>> -> memref<1x1024x32xf32, #tpu.memory_space<vmem>>
        %dma_start3A_72 = tpu.memref_squeeze %dma_start3A_71 : memref<1x1024x32xf32, #tpu.memory_space<vmem>> -> memref<1024x32xf32, #tpu.memory_space<vmem>>
        %dma_start3A_73 = arith.constant 0 : i32
        %dma_start3A_74 = tpu.memref_slice %arg8[%mul3A_28, %dma_start3A_73] : memref<10x1024xi32, #tpu.memory_space<vmem>> -> memref<1x1024xi32, #tpu.memory_space<vmem>>
        %dma_start3A_75 = tpu.memref_squeeze %dma_start3A_74 : memref<1x1024xi32, #tpu.memory_space<vmem>> -> memref<1024xi32, #tpu.memory_space<vmem>>
        %dma_start3A_76 = arith.constant 0 : i32
        %dma_start3A_77 = arith.constant 0 : i32
        %dma_start3A_78 = tpu.memref_slice %arg10[%dma_start3A_76, %dma_start3A_77] : memref<10112x32xf32, #tpu.memory_space<vmem_shared>> -> memref<10112x32xf32, #tpu.memory_space<vmem_shared>>
        tpu.enqueue_indirect_dma source(%dma_start3A_72 : memref<1024x32xf32, #tpu.memory_space<vmem>>) target(%dma_start3A_78 : memref<10112x32xf32, #tpu.memory_space<vmem_shared>>) offsets(%dma_start3A_75 : memref<1024xi32, #tpu.memory_space<vmem>>) semaphore(%run_scoped3A_68 : memref<!tpu.dma_semaphore, #tpu.memory_space<semaphore_mem>>) {add = true}
        %dma_wait3A_79 = arith.constant 0 : i32
        %dma_wait3A_80 = arith.constant 0 : i32
        %dma_wait3A_81 = tpu.memref_slice %arg9[%run_scoped3A, %dma_wait3A_79, %dma_wait3A_80] : memref<2x1024x32xf32, #tpu.memory_space<vmem>> -> memref<1x1024x32xf32, #tpu.memory_space<vmem>>
        %dma_wait3A_82 = tpu.memref_squeeze %dma_wait3A_81 : memref<1x1024x32xf32, #tpu.memory_space<vmem>> -> memref<1024x32xf32, #tpu.memory_space<vmem>>
        %dma_wait3A_83 = arith.constant 0 : i32
        %dma_wait3A_84 = tpu.memref_slice %arg8[%mul3A_28, %dma_wait3A_83] : memref<10x1024xi32, #tpu.memory_space<vmem>> -> memref<1x1024xi32, #tpu.memory_space<vmem>>
        %dma_wait3A_85 = tpu.memref_squeeze %dma_wait3A_84 : memref<1x1024xi32, #tpu.memory_space<vmem>> -> memref<1024xi32, #tpu.memory_space<vmem>>
        %dma_wait3A_86 = arith.constant 0 : i32
        %dma_wait3A_87 = arith.constant 0 : i32
        %dma_wait3A_88 = tpu.memref_slice %arg10[%dma_wait3A_86, %dma_wait3A_87] : memref<10112x32xf32, #tpu.memory_space<vmem_shared>> -> memref<10112x32xf32, #tpu.memory_space<vmem_shared>>
        tpu.wait_indirect_dma semaphore(%run_scoped3A_68 : memref<!tpu.dma_semaphore, #tpu.memory_space<semaphore_mem>>) src(%dma_wait3A_82 : memref<1024x32xf32, #tpu.memory_space<vmem>>) dst(%dma_wait3A_88 : memref<10112x32xf32, #tpu.memory_space<vmem_shared>>)
        tpu.yield
      }) : () -> ()
      %lt3A = arith.constant 4 : i32
      %lt3A_52 = arith.cmpi slt, %scan3A_26, %lt3A : i32
      %convert_element_type3A_53 = arith.extui %lt3A_52 : i1 to i32
      %cond3A_54 = arith.constant 0 : i32
      %cond3A_55 = arith.cmpi ne, %convert_element_type3A_53, %cond3A_54 : i32
      scf.if %cond3A_55 {
        %add3A_68 = arith.constant 2 : i32
        %add3A_69 = arith.addi %mul3A_28, %add3A_68 : i32
        %dma_start3A_70 = arith.constant 0 : i32
        %dma_start3A_71 = arith.constant 0 : i32
        %dma_start3A_72 = arith.constant 0 : i32
        %dma_start3A_73 = tpu.memref_slice %arg9[%dma_start3A_70, %dma_start3A_71, %dma_start3A_72] : memref<2x1024x32xf32, #tpu.memory_space<vmem>> -> memref<1x1024x32xf32, #tpu.memory_space<vmem>>
        %dma_start3A_74 = tpu.memref_squeeze %dma_start3A_73 : memref<1x1024x32xf32, #tpu.memory_space<vmem>> -> memref<1024x32xf32, #tpu.memory_space<vmem>>
        %dma_start3A_75 = arith.constant 0 : i32
        %dma_start3A_76 = tpu.memref_slice %arg7[%add3A_69, %dma_start3A_75] : memref<10x1024xi32, #tpu.memory_space<vmem>> -> memref<1x1024xi32, #tpu.memory_space<vmem>>
        %dma_start3A_77 = tpu.memref_squeeze %dma_start3A_76 : memref<1x1024xi32, #tpu.memory_space<vmem>> -> memref<1024xi32, #tpu.memory_space<vmem>>
        %dma_start3A_78 = arith.constant 0 : i32
        %dma_start3A_79 = arith.constant 0 : i32
        %dma_start3A_80 = tpu.memref_slice %arg11[%dma_start3A_78, %dma_start3A_79] : memref<10112x32xf32, #tpu.memory_space<vmem_shared>> -> memref<10112x32xf32, #tpu.memory_space<vmem_shared>>
        tpu.enqueue_indirect_dma source(%dma_start3A_80 : memref<10112x32xf32, #tpu.memory_space<vmem_shared>>) target(%dma_start3A_74 : memref<1024x32xf32, #tpu.memory_space<vmem>>) offsets(%dma_start3A_77 : memref<1024xi32, #tpu.memory_space<vmem>>) semaphore(%arg12 : memref<!tpu.dma_semaphore, #tpu.memory_space<semaphore_mem>>)
      } else {
      }
      %dma_wait3A_56 = arith.constant 1 : i32
      %dma_wait3A_57 = arith.constant 0 : i32
      %dma_wait3A_58 = arith.constant 0 : i32
      %dma_wait3A_59 = tpu.memref_slice %arg9[%dma_wait3A_56, %dma_wait3A_57, %dma_wait3A_58] : memref<2x1024x32xf32, #tpu.memory_space<vmem>> -> memref<1x1024x32xf32, #tpu.memory_space<vmem>>
      %dma_wait3A_60 = tpu.memref_squeeze %dma_wait3A_59 : memref<1x1024x32xf32, #tpu.memory_space<vmem>> -> memref<1024x32xf32, #tpu.memory_space<vmem>>
      %dma_wait3A_61 = arith.constant 0 : i32
      %dma_wait3A_62 = tpu.memref_slice %arg7[%add3A_30, %dma_wait3A_61] : memref<10x1024xi32, #tpu.memory_space<vmem>> -> memref<1x1024xi32, #tpu.memory_space<vmem>>
      %dma_wait3A_63 = tpu.memref_squeeze %dma_wait3A_62 : memref<1x1024xi32, #tpu.memory_space<vmem>> -> memref<1024xi32, #tpu.memory_space<vmem>>
      %dma_wait3A_64 = arith.constant 0 : i32
      %dma_wait3A_65 = arith.constant 0 : i32
      %dma_wait3A_66 = tpu.memref_slice %arg11[%dma_wait3A_64, %dma_wait3A_65] : memref<10112x32xf32, #tpu.memory_space<vmem_shared>> -> memref<10112x32xf32, #tpu.memory_space<vmem_shared>>
      tpu.wait_indirect_dma semaphore(%arg13 : memref<!tpu.dma_semaphore, #tpu.memory_space<semaphore_mem>>) src(%dma_wait3A_66 : memref<10112x32xf32, #tpu.memory_space<vmem_shared>>) dst(%dma_wait3A_60 : memref<1024x32xf32, #tpu.memory_space<vmem>>)
      %run_scoped3A_67 = arith.constant 1 : i32
      "tpu.region"() ({
        %run_scoped3A_68 = tpu.sem_alloc : memref<!tpu.dma_semaphore, #tpu.memory_space<semaphore_mem>>
        %dma_start3A_69 = arith.constant 0 : i32
        %dma_start3A_70 = arith.constant 0 : i32
        %dma_start3A_71 = tpu.memref_slice %arg9[%run_scoped3A_67, %dma_start3A_69, %dma_start3A_70] : memref<2x1024x32xf32, #tpu.memory_space<vmem>> -> memref<1x1024x32xf32, #tpu.memory_space<vmem>>
        %dma_start3A_72 = tpu.memref_squeeze %dma_start3A_71 : memref<1x1024x32xf32, #tpu.memory_space<vmem>> -> memref<1024x32xf32, #tpu.memory_space<vmem>>
        %dma_start3A_73 = arith.constant 0 : i32
        %dma_start3A_74 = tpu.memref_slice %arg8[%add3A_30, %dma_start3A_73] : memref<10x1024xi32, #tpu.memory_space<vmem>> -> memref<1x1024xi32, #tpu.memory_space<vmem>>
        %dma_start3A_75 = tpu.memref_squeeze %dma_start3A_74 : memref<1x1024xi32, #tpu.memory_space<vmem>> -> memref<1024xi32, #tpu.memory_space<vmem>>
        %dma_start3A_76 = arith.constant 0 : i32
        %dma_start3A_77 = arith.constant 0 : i32
        %dma_start3A_78 = tpu.memref_slice %arg10[%dma_start3A_76, %dma_start3A_77] : memref<10112x32xf32, #tpu.memory_space<vmem_shared>> -> memref<10112x32xf32, #tpu.memory_space<vmem_shared>>
        tpu.enqueue_indirect_dma source(%dma_start3A_72 : memref<1024x32xf32, #tpu.memory_space<vmem>>) target(%dma_start3A_78 : memref<10112x32xf32, #tpu.memory_space<vmem_shared>>) offsets(%dma_start3A_75 : memref<1024xi32, #tpu.memory_space<vmem>>) semaphore(%run_scoped3A_68 : memref<!tpu.dma_semaphore, #tpu.memory_space<semaphore_mem>>) {add = true}
        %dma_wait3A_79 = arith.constant 0 : i32
        %dma_wait3A_80 = arith.constant 0 : i32
        %dma_wait3A_81 = tpu.memref_slice %arg9[%run_scoped3A_67, %dma_wait3A_79, %dma_wait3A_80] : memref<2x1024x32xf32, #tpu.memory_space<vmem>> -> memref<1x1024x32xf32, #tpu.memory_space<vmem>>
        %dma_wait3A_82 = tpu.memref_squeeze %dma_wait3A_81 : memref<1x1024x32xf32, #tpu.memory_space<vmem>> -> memref<1024x32xf32, #tpu.memory_space<vmem>>
        %dma_wait3A_83 = arith.constant 0 : i32
        %dma_wait3A_84 = tpu.memref_slice %arg8[%add3A_30, %dma_wait3A_83] : memref<10x1024xi32, #tpu.memory_space<vmem>> -> memref<1x1024xi32, #tpu.memory_space<vmem>>
        %dma_wait3A_85 = tpu.memref_squeeze %dma_wait3A_84 : memref<1x1024xi32, #tpu.memory_space<vmem>> -> memref<1024xi32, #tpu.memory_space<vmem>>
        %dma_wait3A_86 = arith.constant 0 : i32
        %dma_wait3A_87 = arith.constant 0 : i32
        %dma_wait3A_88 = tpu.memref_slice %arg10[%dma_wait3A_86, %dma_wait3A_87] : memref<10112x32xf32, #tpu.memory_space<vmem_shared>> -> memref<10112x32xf32, #tpu.memory_space<vmem_shared>>
        tpu.wait_indirect_dma semaphore(%run_scoped3A_68 : memref<!tpu.dma_semaphore, #tpu.memory_space<semaphore_mem>>) src(%dma_wait3A_82 : memref<1024x32xf32, #tpu.memory_space<vmem>>) dst(%dma_wait3A_88 : memref<10112x32xf32, #tpu.memory_space<vmem_shared>>)
        tpu.yield
      }) : () -> ()
    }
    %scan3A_24 = arith.constant 5 : i32
    %barrier3A_25 = arith.constant 0 : index
    tpu.barrier barrier_id(%barrier3A_25)
    "tpu.region"() ({
      %run_scoped3A = tpu.sem_alloc : memref<!tpu.dma_semaphore, #tpu.memory_space<semaphore_mem>>
      %dma_start3A_26 = arith.constant 0 : i32
      %dma_start3A_27 = tpu.memref_slice %arg6[%arg0, %mul3A_2, %dma_start3A_26] : memref<2x10112x32xf32, #tpu.memory_space<hbm>> -> memref<1x632x32xf32, #tpu.memory_space<hbm>>
      %dma_start3A_28 = tpu.memref_squeeze %dma_start3A_27 : memref<1x632x32xf32, #tpu.memory_space<hbm>> -> memref<632x32xf32, #tpu.memory_space<hbm>>
      %dma_start3A_29 = arith.constant 0 : i32
      %dma_start3A_30 = tpu.memref_slice %arg10[%mul3A_2, %dma_start3A_29] : memref<10112x32xf32, #tpu.memory_space<vmem_shared>> -> memref<632x32xf32, #tpu.memory_space<vmem_shared>>
      tpu.enqueue_dma source(%dma_start3A_30 : memref<632x32xf32, #tpu.memory_space<vmem_shared>>) target(%dma_start3A_28 : memref<632x32xf32, #tpu.memory_space<hbm>>) target_semaphore(%run_scoped3A : memref<!tpu.dma_semaphore, #tpu.memory_space<semaphore_mem>>)
      %dma_wait3A = arith.constant 0 : i32
      %dma_wait3A_31 = tpu.memref_slice %arg6[%arg0, %mul3A_2, %dma_wait3A] : memref<2x10112x32xf32, #tpu.memory_space<hbm>> -> memref<1x632x32xf32, #tpu.memory_space<hbm>>
      %dma_wait3A_32 = tpu.memref_squeeze %dma_wait3A_31 : memref<1x632x32xf32, #tpu.memory_space<hbm>> -> memref<632x32xf32, #tpu.memory_space<hbm>>
      %dma_wait3A_33 = arith.constant 0 : i32
      %dma_wait3A_34 = tpu.memref_slice %arg10[%mul3A_2, %dma_wait3A_33] : memref<10112x32xf32, #tpu.memory_space<vmem_shared>> -> memref<632x32xf32, #tpu.memory_space<vmem_shared>>
      tpu.wait_dma2 semaphore(%run_scoped3A : memref<!tpu.dma_semaphore, #tpu.memory_space<semaphore_mem>>) src(%dma_wait3A_34 : memref<632x32xf32, #tpu.memory_space<vmem_shared>>) dst(%dma_wait3A_32 : memref<632x32xf32, #tpu.memory_space<hbm>>)
      tpu.yield
    }) : () -> ()
    return
  }
}

#map = affine_map<(d0, d1) -> (0)>
#map1 = affine_map<(d0, d1) -> (0, 0, 0)>
#map2 = affine_map<(d0, d1) -> (0, 0)>
module attributes {stable_mosaic.version = 14 : i64} {
  func.func @_deg_kernel(%arg0: i32, %arg1: i32, %arg2: memref<632xf32, #tpu.memory_space<hbm>>, %arg3: memref<32x10x1024xi32, #tpu.memory_space<hbm>>, %arg4: memref<2x10112xf32, #tpu.memory_space<hbm>>, %arg5: memref<10x1024xi32, #tpu.memory_space<vmem>>, %arg6: memref<1024xf32, #tpu.memory_space<vmem>>, %arg7: memref<10112xf32, #tpu.memory_space<vmem_shared>>) attributes {dimension_semantics = [#tpu.dimension_semantics<core_parallel>, #tpu.dimension_semantics<subcore_parallel>], iteration_bounds = array<i64: 2, 16>, scalar_prefetch = 0 : i64, scratch_operands = 3 : i64, tpu.core_type = #tpu.core_type<sc_vector_subcore>, window_params = [{transform_indices = #map}, {transform_indices = #map1}, {transform_indices = #map2}]} {
    %mul3A = arith.constant 16 : i32
    %mul3A_0 = arith.muli %arg0, %mul3A : i32
    %add3A = arith.addi %mul3A_0, %arg1 : i32
    %mul3A_1 = arith.constant 632 : i32
    %mul3A_2 = arith.muli %arg1, %mul3A_1 : i32
    "tpu.region"() ({
      %run_scoped3A = tpu.sem_alloc : memref<!tpu.dma_semaphore, #tpu.memory_space<semaphore_mem>>
      %dma_start3A = tpu.memref_slice %arg7[%mul3A_2] : memref<10112xf32, #tpu.memory_space<vmem_shared>> -> memref<632xf32, #tpu.memory_space<vmem_shared>>
      tpu.enqueue_dma source(%arg2 : memref<632xf32, #tpu.memory_space<hbm>>) target(%dma_start3A : memref<632xf32, #tpu.memory_space<vmem_shared>>) target_semaphore(%run_scoped3A : memref<!tpu.dma_semaphore, #tpu.memory_space<semaphore_mem>>)
      %dma_wait3A = tpu.memref_slice %arg7[%mul3A_2] : memref<10112xf32, #tpu.memory_space<vmem_shared>> -> memref<632xf32, #tpu.memory_space<vmem_shared>>
      tpu.wait_dma2 semaphore(%run_scoped3A : memref<!tpu.dma_semaphore, #tpu.memory_space<semaphore_mem>>) src(%arg2 : memref<632xf32, #tpu.memory_space<hbm>>) dst(%dma_wait3A : memref<632xf32, #tpu.memory_space<vmem_shared>>)
      tpu.yield
    }) : () -> ()
    "tpu.region"() ({
      %run_scoped3A = tpu.sem_alloc : memref<!tpu.dma_semaphore, #tpu.memory_space<semaphore_mem>>
      %dma_start3A = arith.constant 0 : i32
      %dma_start3A_391 = arith.constant 0 : i32
      %dma_start3A_392 = tpu.memref_slice %arg3[%add3A, %dma_start3A, %dma_start3A_391] : memref<32x10x1024xi32, #tpu.memory_space<hbm>> -> memref<1x10x1024xi32, #tpu.memory_space<hbm>>
      %dma_start3A_393 = tpu.memref_squeeze %dma_start3A_392 : memref<1x10x1024xi32, #tpu.memory_space<hbm>> -> memref<10x1024xi32, #tpu.memory_space<hbm>>
      %dma_start3A_394 = arith.constant 0 : i32
      %dma_start3A_395 = arith.constant 0 : i32
      %dma_start3A_396 = tpu.memref_slice %arg3[%add3A, %dma_start3A_394, %dma_start3A_395] : memref<32x10x1024xi32, #tpu.memory_space<hbm>> -> memref<1x10x1024xi32, #tpu.memory_space<hbm>>
      %dma_start3A_397 = tpu.memref_squeeze %dma_start3A_396 : memref<1x10x1024xi32, #tpu.memory_space<hbm>> -> memref<10x1024xi32, #tpu.memory_space<hbm>>
      tpu.enqueue_dma source(%dma_start3A_397 : memref<10x1024xi32, #tpu.memory_space<hbm>>) target(%arg5 : memref<10x1024xi32, #tpu.memory_space<vmem>>) target_semaphore(%run_scoped3A : memref<!tpu.dma_semaphore, #tpu.memory_space<semaphore_mem>>)
      %dma_wait3A = arith.constant 0 : i32
      %dma_wait3A_398 = arith.constant 0 : i32
      %dma_wait3A_399 = tpu.memref_slice %arg3[%add3A, %dma_wait3A, %dma_wait3A_398] : memref<32x10x1024xi32, #tpu.memory_space<hbm>> -> memref<1x10x1024xi32, #tpu.memory_space<hbm>>
      %dma_wait3A_400 = tpu.memref_squeeze %dma_wait3A_399 : memref<1x10x1024xi32, #tpu.memory_space<hbm>> -> memref<10x1024xi32, #tpu.memory_space<hbm>>
      %dma_wait3A_401 = arith.constant 0 : i32
      %dma_wait3A_402 = arith.constant 0 : i32
      %dma_wait3A_403 = tpu.memref_slice %arg3[%add3A, %dma_wait3A_401, %dma_wait3A_402] : memref<32x10x1024xi32, #tpu.memory_space<hbm>> -> memref<1x10x1024xi32, #tpu.memory_space<hbm>>
      %dma_wait3A_404 = tpu.memref_squeeze %dma_wait3A_403 : memref<1x10x1024xi32, #tpu.memory_space<hbm>> -> memref<10x1024xi32, #tpu.memory_space<hbm>>
      tpu.wait_dma2 semaphore(%run_scoped3A : memref<!tpu.dma_semaphore, #tpu.memory_space<semaphore_mem>>) src(%dma_wait3A_404 : memref<10x1024xi32, #tpu.memory_space<hbm>>) dst(%arg5 : memref<10x1024xi32, #tpu.memory_space<vmem>>)
      tpu.yield
    }) : () -> ()
    %broadcast_in_dim3A = arith.constant 1.000000e+00 : f32
    %broadcast_in_dim3A_3 = vector.broadcast %broadcast_in_dim3A : f32 to vector<16xf32>
    %swap3A = arith.constant 0 : index
    %swap3A_4 = tpu.vector_load %arg6[%swap3A] {strides = array<i32>} : memref<1024xf32, #tpu.memory_space<vmem>>, vector<16xf32>,
    %swap3A_5 = vector.shape_cast %swap3A_4 : vector<16xf32> to vector<16xf32>
    %swap3A_6 = vector.shape_cast %broadcast_in_dim3A_3 : vector<16xf32> to vector<16xf32>
    tpu.vector_store %arg6[%swap3A], %swap3A_6 {strides = array<i32>} : memref<1024xf32, #tpu.memory_space<vmem>>, vector<16xf32>,
    %broadcast_in_dim3A_7 = arith.constant 1.000000e+00 : f32
    %broadcast_in_dim3A_8 = vector.broadcast %broadcast_in_dim3A_7 : f32 to vector<16xf32>
    %swap3A_9 = arith.constant 16 : index
    %swap3A_10 = tpu.vector_load %arg6[%swap3A_9] {strides = array<i32>} : memref<1024xf32, #tpu.memory_space<vmem>>, vector<16xf32>,
    %swap3A_11 = vector.shape_cast %swap3A_10 : vector<16xf32> to vector<16xf32>
    %swap3A_12 = vector.shape_cast %broadcast_in_dim3A_8 : vector<16xf32> to vector<16xf32>
    tpu.vector_store %arg6[%swap3A_9], %swap3A_12 {strides = array<i32>} : memref<1024xf32, #tpu.memory_space<vmem>>, vector<16xf32>,
    %broadcast_in_dim3A_13 = arith.constant 1.000000e+00 : f32
    %broadcast_in_dim3A_14 = vector.broadcast %broadcast_in_dim3A_13 : f32 to vector<16xf32>
    %swap3A_15 = arith.constant 32 : index
    %swap3A_16 = tpu.vector_load %arg6[%swap3A_15] {strides = array<i32>} : memref<1024xf32, #tpu.memory_space<vmem>>, vector<16xf32>,
    %swap3A_17 = vector.shape_cast %swap3A_16 : vector<16xf32> to vector<16xf32>
    %swap3A_18 = vector.shape_cast %broadcast_in_dim3A_14 : vector<16xf32> to vector<16xf32>
    tpu.vector_store %arg6[%swap3A_15], %swap3A_18 {strides = array<i32>} : memref<1024xf32, #tpu.memory_space<vmem>>, vector<16xf32>,
    %broadcast_in_dim3A_19 = arith.constant 1.000000e+00 : f32
    %broadcast_in_dim3A_20 = vector.broadcast %broadcast_in_dim3A_19 : f32 to vector<16xf32>
    %swap3A_21 = arith.constant 48 : index
    %swap3A_22 = tpu.vector_load %arg6[%swap3A_21] {strides = array<i32>} : memref<1024xf32, #tpu.memory_space<vmem>>, vector<16xf32>,
    %swap3A_23 = vector.shape_cast %swap3A_22 : vector<16xf32> to vector<16xf32>
    %swap3A_24 = vector.shape_cast %broadcast_in_dim3A_20 : vector<16xf32> to vector<16xf32>
    tpu.vector_store %arg6[%swap3A_21], %swap3A_24 {strides = array<i32>} : memref<1024xf32, #tpu.memory_space<vmem>>, vector<16xf32>,
    %broadcast_in_dim3A_25 = arith.constant 1.000000e+00 : f32
    %broadcast_in_dim3A_26 = vector.broadcast %broadcast_in_dim3A_25 : f32 to vector<16xf32>
    %swap3A_27 = arith.constant 64 : index
    %swap3A_28 = tpu.vector_load %arg6[%swap3A_27] {strides = array<i32>} : memref<1024xf32, #tpu.memory_space<vmem>>, vector<16xf32>,
    %swap3A_29 = vector.shape_cast %swap3A_28 : vector<16xf32> to vector<16xf32>
    %swap3A_30 = vector.shape_cast %broadcast_in_dim3A_26 : vector<16xf32> to vector<16xf32>
    tpu.vector_store %arg6[%swap3A_27], %swap3A_30 {strides = array<i32>} : memref<1024xf32, #tpu.memory_space<vmem>>, vector<16xf32>,
    %broadcast_in_dim3A_31 = arith.constant 1.000000e+00 : f32
    %broadcast_in_dim3A_32 = vector.broadcast %broadcast_in_dim3A_31 : f32 to vector<16xf32>
    %swap3A_33 = arith.constant 80 : index
    %swap3A_34 = tpu.vector_load %arg6[%swap3A_33] {strides = array<i32>} : memref<1024xf32, #tpu.memory_space<vmem>>, vector<16xf32>,
    %swap3A_35 = vector.shape_cast %swap3A_34 : vector<16xf32> to vector<16xf32>
    %swap3A_36 = vector.shape_cast %broadcast_in_dim3A_32 : vector<16xf32> to vector<16xf32>
    tpu.vector_store %arg6[%swap3A_33], %swap3A_36 {strides = array<i32>} : memref<1024xf32, #tpu.memory_space<vmem>>, vector<16xf32>,
    %broadcast_in_dim3A_37 = arith.constant 1.000000e+00 : f32
    %broadcast_in_dim3A_38 = vector.broadcast %broadcast_in_dim3A_37 : f32 to vector<16xf32>
    %swap3A_39 = arith.constant 96 : index
    %swap3A_40 = tpu.vector_load %arg6[%swap3A_39] {strides = array<i32>} : memref<1024xf32, #tpu.memory_space<vmem>>, vector<16xf32>,
    %swap3A_41 = vector.shape_cast %swap3A_40 : vector<16xf32> to vector<16xf32>
    %swap3A_42 = vector.shape_cast %broadcast_in_dim3A_38 : vector<16xf32> to vector<16xf32>
    tpu.vector_store %arg6[%swap3A_39], %swap3A_42 {strides = array<i32>} : memref<1024xf32, #tpu.memory_space<vmem>>, vector<16xf32>,
    %broadcast_in_dim3A_43 = arith.constant 1.000000e+00 : f32
    %broadcast_in_dim3A_44 = vector.broadcast %broadcast_in_dim3A_43 : f32 to vector<16xf32>
    %swap3A_45 = arith.constant 112 : index
    %swap3A_46 = tpu.vector_load %arg6[%swap3A_45] {strides = array<i32>} : memref<1024xf32, #tpu.memory_space<vmem>>, vector<16xf32>,
    %swap3A_47 = vector.shape_cast %swap3A_46 : vector<16xf32> to vector<16xf32>
    %swap3A_48 = vector.shape_cast %broadcast_in_dim3A_44 : vector<16xf32> to vector<16xf32>
    tpu.vector_store %arg6[%swap3A_45], %swap3A_48 {strides = array<i32>} : memref<1024xf32, #tpu.memory_space<vmem>>, vector<16xf32>,
    %broadcast_in_dim3A_49 = arith.constant 1.000000e+00 : f32
    %broadcast_in_dim3A_50 = vector.broadcast %broadcast_in_dim3A_49 : f32 to vector<16xf32>
    %swap3A_51 = arith.constant 128 : index
    %swap3A_52 = tpu.vector_load %arg6[%swap3A_51] {strides = array<i32>} : memref<1024xf32, #tpu.memory_space<vmem>>, vector<16xf32>,
    %swap3A_53 = vector.shape_cast %swap3A_52 : vector<16xf32> to vector<16xf32>
    %swap3A_54 = vector.shape_cast %broadcast_in_dim3A_50 : vector<16xf32> to vector<16xf32>
    tpu.vector_store %arg6[%swap3A_51], %swap3A_54 {strides = array<i32>} : memref<1024xf32, #tpu.memory_space<vmem>>, vector<16xf32>,
    %broadcast_in_dim3A_55 = arith.constant 1.000000e+00 : f32
    %broadcast_in_dim3A_56 = vector.broadcast %broadcast_in_dim3A_55 : f32 to vector<16xf32>
    %swap3A_57 = arith.constant 144 : index
    %swap3A_58 = tpu.vector_load %arg6[%swap3A_57] {strides = array<i32>} : memref<1024xf32, #tpu.memory_space<vmem>>, vector<16xf32>,
    %swap3A_59 = vector.shape_cast %swap3A_58 : vector<16xf32> to vector<16xf32>
    %swap3A_60 = vector.shape_cast %broadcast_in_dim3A_56 : vector<16xf32> to vector<16xf32>
    tpu.vector_store %arg6[%swap3A_57], %swap3A_60 {strides = array<i32>} : memref<1024xf32, #tpu.memory_space<vmem>>, vector<16xf32>,
    %broadcast_in_dim3A_61 = arith.constant 1.000000e+00 : f32
    %broadcast_in_dim3A_62 = vector.broadcast %broadcast_in_dim3A_61 : f32 to vector<16xf32>
    %swap3A_63 = arith.constant 160 : index
    %swap3A_64 = tpu.vector_load %arg6[%swap3A_63] {strides = array<i32>} : memref<1024xf32, #tpu.memory_space<vmem>>, vector<16xf32>,
    %swap3A_65 = vector.shape_cast %swap3A_64 : vector<16xf32> to vector<16xf32>
    %swap3A_66 = vector.shape_cast %broadcast_in_dim3A_62 : vector<16xf32> to vector<16xf32>
    tpu.vector_store %arg6[%swap3A_63], %swap3A_66 {strides = array<i32>} : memref<1024xf32, #tpu.memory_space<vmem>>, vector<16xf32>,
    %broadcast_in_dim3A_67 = arith.constant 1.000000e+00 : f32
    %broadcast_in_dim3A_68 = vector.broadcast %broadcast_in_dim3A_67 : f32 to vector<16xf32>
    %swap3A_69 = arith.constant 176 : index
    %swap3A_70 = tpu.vector_load %arg6[%swap3A_69] {strides = array<i32>} : memref<1024xf32, #tpu.memory_space<vmem>>, vector<16xf32>,
    %swap3A_71 = vector.shape_cast %swap3A_70 : vector<16xf32> to vector<16xf32>
    %swap3A_72 = vector.shape_cast %broadcast_in_dim3A_68 : vector<16xf32> to vector<16xf32>
    tpu.vector_store %arg6[%swap3A_69], %swap3A_72 {strides = array<i32>} : memref<1024xf32, #tpu.memory_space<vmem>>, vector<16xf32>,
    %broadcast_in_dim3A_73 = arith.constant 1.000000e+00 : f32
    %broadcast_in_dim3A_74 = vector.broadcast %broadcast_in_dim3A_73 : f32 to vector<16xf32>
    %swap3A_75 = arith.constant 192 : index
    %swap3A_76 = tpu.vector_load %arg6[%swap3A_75] {strides = array<i32>} : memref<1024xf32, #tpu.memory_space<vmem>>, vector<16xf32>,
    %swap3A_77 = vector.shape_cast %swap3A_76 : vector<16xf32> to vector<16xf32>
    %swap3A_78 = vector.shape_cast %broadcast_in_dim3A_74 : vector<16xf32> to vector<16xf32>
    tpu.vector_store %arg6[%swap3A_75], %swap3A_78 {strides = array<i32>} : memref<1024xf32, #tpu.memory_space<vmem>>, vector<16xf32>,
    %broadcast_in_dim3A_79 = arith.constant 1.000000e+00 : f32
    %broadcast_in_dim3A_80 = vector.broadcast %broadcast_in_dim3A_79 : f32 to vector<16xf32>
    %swap3A_81 = arith.constant 208 : index
    %swap3A_82 = tpu.vector_load %arg6[%swap3A_81] {strides = array<i32>} : memref<1024xf32, #tpu.memory_space<vmem>>, vector<16xf32>,
    %swap3A_83 = vector.shape_cast %swap3A_82 : vector<16xf32> to vector<16xf32>
    %swap3A_84 = vector.shape_cast %broadcast_in_dim3A_80 : vector<16xf32> to vector<16xf32>
    tpu.vector_store %arg6[%swap3A_81], %swap3A_84 {strides = array<i32>} : memref<1024xf32, #tpu.memory_space<vmem>>, vector<16xf32>,
    %broadcast_in_dim3A_85 = arith.constant 1.000000e+00 : f32
    %broadcast_in_dim3A_86 = vector.broadcast %broadcast_in_dim3A_85 : f32 to vector<16xf32>
    %swap3A_87 = arith.constant 224 : index
    %swap3A_88 = tpu.vector_load %arg6[%swap3A_87] {strides = array<i32>} : memref<1024xf32, #tpu.memory_space<vmem>>, vector<16xf32>,
    %swap3A_89 = vector.shape_cast %swap3A_88 : vector<16xf32> to vector<16xf32>
    %swap3A_90 = vector.shape_cast %broadcast_in_dim3A_86 : vector<16xf32> to vector<16xf32>
    tpu.vector_store %arg6[%swap3A_87], %swap3A_90 {strides = array<i32>} : memref<1024xf32, #tpu.memory_space<vmem>>, vector<16xf32>,
    %broadcast_in_dim3A_91 = arith.constant 1.000000e+00 : f32
    %broadcast_in_dim3A_92 = vector.broadcast %broadcast_in_dim3A_91 : f32 to vector<16xf32>
    %swap3A_93 = arith.constant 240 : index
    %swap3A_94 = tpu.vector_load %arg6[%swap3A_93] {strides = array<i32>} : memref<1024xf32, #tpu.memory_space<vmem>>, vector<16xf32>,
    %swap3A_95 = vector.shape_cast %swap3A_94 : vector<16xf32> to vector<16xf32>
    %swap3A_96 = vector.shape_cast %broadcast_in_dim3A_92 : vector<16xf32> to vector<16xf32>
    tpu.vector_store %arg6[%swap3A_93], %swap3A_96 {strides = array<i32>} : memref<1024xf32, #tpu.memory_space<vmem>>, vector<16xf32>,
    %broadcast_in_dim3A_97 = arith.constant 1.000000e+00 : f32
    %broadcast_in_dim3A_98 = vector.broadcast %broadcast_in_dim3A_97 : f32 to vector<16xf32>
    %swap3A_99 = arith.constant 256 : index
    %swap3A_100 = tpu.vector_load %arg6[%swap3A_99] {strides = array<i32>} : memref<1024xf32, #tpu.memory_space<vmem>>, vector<16xf32>,
    %swap3A_101 = vector.shape_cast %swap3A_100 : vector<16xf32> to vector<16xf32>
    %swap3A_102 = vector.shape_cast %broadcast_in_dim3A_98 : vector<16xf32> to vector<16xf32>
    tpu.vector_store %arg6[%swap3A_99], %swap3A_102 {strides = array<i32>} : memref<1024xf32, #tpu.memory_space<vmem>>, vector<16xf32>,
    %broadcast_in_dim3A_103 = arith.constant 1.000000e+00 : f32
    %broadcast_in_dim3A_104 = vector.broadcast %broadcast_in_dim3A_103 : f32 to vector<16xf32>
    %swap3A_105 = arith.constant 272 : index
    %swap3A_106 = tpu.vector_load %arg6[%swap3A_105] {strides = array<i32>} : memref<1024xf32, #tpu.memory_space<vmem>>, vector<16xf32>,
    %swap3A_107 = vector.shape_cast %swap3A_106 : vector<16xf32> to vector<16xf32>
    %swap3A_108 = vector.shape_cast %broadcast_in_dim3A_104 : vector<16xf32> to vector<16xf32>
    tpu.vector_store %arg6[%swap3A_105], %swap3A_108 {strides = array<i32>} : memref<1024xf32, #tpu.memory_space<vmem>>, vector<16xf32>,
    %broadcast_in_dim3A_109 = arith.constant 1.000000e+00 : f32
    %broadcast_in_dim3A_110 = vector.broadcast %broadcast_in_dim3A_109 : f32 to vector<16xf32>
    %swap3A_111 = arith.constant 288 : index
    %swap3A_112 = tpu.vector_load %arg6[%swap3A_111] {strides = array<i32>} : memref<1024xf32, #tpu.memory_space<vmem>>, vector<16xf32>,
    %swap3A_113 = vector.shape_cast %swap3A_112 : vector<16xf32> to vector<16xf32>
    %swap3A_114 = vector.shape_cast %broadcast_in_dim3A_110 : vector<16xf32> to vector<16xf32>
    tpu.vector_store %arg6[%swap3A_111], %swap3A_114 {strides = array<i32>} : memref<1024xf32, #tpu.memory_space<vmem>>, vector<16xf32>,
    %broadcast_in_dim3A_115 = arith.constant 1.000000e+00 : f32
    %broadcast_in_dim3A_116 = vector.broadcast %broadcast_in_dim3A_115 : f32 to vector<16xf32>
    %swap3A_117 = arith.constant 304 : index
    %swap3A_118 = tpu.vector_load %arg6[%swap3A_117] {strides = array<i32>} : memref<1024xf32, #tpu.memory_space<vmem>>, vector<16xf32>,
    %swap3A_119 = vector.shape_cast %swap3A_118 : vector<16xf32> to vector<16xf32>
    %swap3A_120 = vector.shape_cast %broadcast_in_dim3A_116 : vector<16xf32> to vector<16xf32>
    tpu.vector_store %arg6[%swap3A_117], %swap3A_120 {strides = array<i32>} : memref<1024xf32, #tpu.memory_space<vmem>>, vector<16xf32>,
    %broadcast_in_dim3A_121 = arith.constant 1.000000e+00 : f32
    %broadcast_in_dim3A_122 = vector.broadcast %broadcast_in_dim3A_121 : f32 to vector<16xf32>
    %swap3A_123 = arith.constant 320 : index
    %swap3A_124 = tpu.vector_load %arg6[%swap3A_123] {strides = array<i32>} : memref<1024xf32, #tpu.memory_space<vmem>>, vector<16xf32>,
    %swap3A_125 = vector.shape_cast %swap3A_124 : vector<16xf32> to vector<16xf32>
    %swap3A_126 = vector.shape_cast %broadcast_in_dim3A_122 : vector<16xf32> to vector<16xf32>
    tpu.vector_store %arg6[%swap3A_123], %swap3A_126 {strides = array<i32>} : memref<1024xf32, #tpu.memory_space<vmem>>, vector<16xf32>,
    %broadcast_in_dim3A_127 = arith.constant 1.000000e+00 : f32
    %broadcast_in_dim3A_128 = vector.broadcast %broadcast_in_dim3A_127 : f32 to vector<16xf32>
    %swap3A_129 = arith.constant 336 : index
    %swap3A_130 = tpu.vector_load %arg6[%swap3A_129] {strides = array<i32>} : memref<1024xf32, #tpu.memory_space<vmem>>, vector<16xf32>,
    %swap3A_131 = vector.shape_cast %swap3A_130 : vector<16xf32> to vector<16xf32>
    %swap3A_132 = vector.shape_cast %broadcast_in_dim3A_128 : vector<16xf32> to vector<16xf32>
    tpu.vector_store %arg6[%swap3A_129], %swap3A_132 {strides = array<i32>} : memref<1024xf32, #tpu.memory_space<vmem>>, vector<16xf32>,
    %broadcast_in_dim3A_133 = arith.constant 1.000000e+00 : f32
    %broadcast_in_dim3A_134 = vector.broadcast %broadcast_in_dim3A_133 : f32 to vector<16xf32>
    %swap3A_135 = arith.constant 352 : index
    %swap3A_136 = tpu.vector_load %arg6[%swap3A_135] {strides = array<i32>} : memref<1024xf32, #tpu.memory_space<vmem>>, vector<16xf32>,
    %swap3A_137 = vector.shape_cast %swap3A_136 : vector<16xf32> to vector<16xf32>
    %swap3A_138 = vector.shape_cast %broadcast_in_dim3A_134 : vector<16xf32> to vector<16xf32>
    tpu.vector_store %arg6[%swap3A_135], %swap3A_138 {strides = array<i32>} : memref<1024xf32, #tpu.memory_space<vmem>>, vector<16xf32>,
    %broadcast_in_dim3A_139 = arith.constant 1.000000e+00 : f32
    %broadcast_in_dim3A_140 = vector.broadcast %broadcast_in_dim3A_139 : f32 to vector<16xf32>
    %swap3A_141 = arith.constant 368 : index
    %swap3A_142 = tpu.vector_load %arg6[%swap3A_141] {strides = array<i32>} : memref<1024xf32, #tpu.memory_space<vmem>>, vector<16xf32>,
    %swap3A_143 = vector.shape_cast %swap3A_142 : vector<16xf32> to vector<16xf32>
    %swap3A_144 = vector.shape_cast %broadcast_in_dim3A_140 : vector<16xf32> to vector<16xf32>
    tpu.vector_store %arg6[%swap3A_141], %swap3A_144 {strides = array<i32>} : memref<1024xf32, #tpu.memory_space<vmem>>, vector<16xf32>,
    %broadcast_in_dim3A_145 = arith.constant 1.000000e+00 : f32
    %broadcast_in_dim3A_146 = vector.broadcast %broadcast_in_dim3A_145 : f32 to vector<16xf32>
    %swap3A_147 = arith.constant 384 : index
    %swap3A_148 = tpu.vector_load %arg6[%swap3A_147] {strides = array<i32>} : memref<1024xf32, #tpu.memory_space<vmem>>, vector<16xf32>,
    %swap3A_149 = vector.shape_cast %swap3A_148 : vector<16xf32> to vector<16xf32>
    %swap3A_150 = vector.shape_cast %broadcast_in_dim3A_146 : vector<16xf32> to vector<16xf32>
    tpu.vector_store %arg6[%swap3A_147], %swap3A_150 {strides = array<i32>} : memref<1024xf32, #tpu.memory_space<vmem>>, vector<16xf32>,
    %broadcast_in_dim3A_151 = arith.constant 1.000000e+00 : f32
    %broadcast_in_dim3A_152 = vector.broadcast %broadcast_in_dim3A_151 : f32 to vector<16xf32>
    %swap3A_153 = arith.constant 400 : index
    %swap3A_154 = tpu.vector_load %arg6[%swap3A_153] {strides = array<i32>} : memref<1024xf32, #tpu.memory_space<vmem>>, vector<16xf32>,
    %swap3A_155 = vector.shape_cast %swap3A_154 : vector<16xf32> to vector<16xf32>
    %swap3A_156 = vector.shape_cast %broadcast_in_dim3A_152 : vector<16xf32> to vector<16xf32>
    tpu.vector_store %arg6[%swap3A_153], %swap3A_156 {strides = array<i32>} : memref<1024xf32, #tpu.memory_space<vmem>>, vector<16xf32>,
    %broadcast_in_dim3A_157 = arith.constant 1.000000e+00 : f32
    %broadcast_in_dim3A_158 = vector.broadcast %broadcast_in_dim3A_157 : f32 to vector<16xf32>
    %swap3A_159 = arith.constant 416 : index
    %swap3A_160 = tpu.vector_load %arg6[%swap3A_159] {strides = array<i32>} : memref<1024xf32, #tpu.memory_space<vmem>>, vector<16xf32>,
    %swap3A_161 = vector.shape_cast %swap3A_160 : vector<16xf32> to vector<16xf32>
    %swap3A_162 = vector.shape_cast %broadcast_in_dim3A_158 : vector<16xf32> to vector<16xf32>
    tpu.vector_store %arg6[%swap3A_159], %swap3A_162 {strides = array<i32>} : memref<1024xf32, #tpu.memory_space<vmem>>, vector<16xf32>,
    %broadcast_in_dim3A_163 = arith.constant 1.000000e+00 : f32
    %broadcast_in_dim3A_164 = vector.broadcast %broadcast_in_dim3A_163 : f32 to vector<16xf32>
    %swap3A_165 = arith.constant 432 : index
    %swap3A_166 = tpu.vector_load %arg6[%swap3A_165] {strides = array<i32>} : memref<1024xf32, #tpu.memory_space<vmem>>, vector<16xf32>,
    %swap3A_167 = vector.shape_cast %swap3A_166 : vector<16xf32> to vector<16xf32>
    %swap3A_168 = vector.shape_cast %broadcast_in_dim3A_164 : vector<16xf32> to vector<16xf32>
    tpu.vector_store %arg6[%swap3A_165], %swap3A_168 {strides = array<i32>} : memref<1024xf32, #tpu.memory_space<vmem>>, vector<16xf32>,
    %broadcast_in_dim3A_169 = arith.constant 1.000000e+00 : f32
    %broadcast_in_dim3A_170 = vector.broadcast %broadcast_in_dim3A_169 : f32 to vector<16xf32>
    %swap3A_171 = arith.constant 448 : index
    %swap3A_172 = tpu.vector_load %arg6[%swap3A_171] {strides = array<i32>} : memref<1024xf32, #tpu.memory_space<vmem>>, vector<16xf32>,
    %swap3A_173 = vector.shape_cast %swap3A_172 : vector<16xf32> to vector<16xf32>
    %swap3A_174 = vector.shape_cast %broadcast_in_dim3A_170 : vector<16xf32> to vector<16xf32>
    tpu.vector_store %arg6[%swap3A_171], %swap3A_174 {strides = array<i32>} : memref<1024xf32, #tpu.memory_space<vmem>>, vector<16xf32>,
    %broadcast_in_dim3A_175 = arith.constant 1.000000e+00 : f32
    %broadcast_in_dim3A_176 = vector.broadcast %broadcast_in_dim3A_175 : f32 to vector<16xf32>
    %swap3A_177 = arith.constant 464 : index
    %swap3A_178 = tpu.vector_load %arg6[%swap3A_177] {strides = array<i32>} : memref<1024xf32, #tpu.memory_space<vmem>>, vector<16xf32>,
    %swap3A_179 = vector.shape_cast %swap3A_178 : vector<16xf32> to vector<16xf32>
    %swap3A_180 = vector.shape_cast %broadcast_in_dim3A_176 : vector<16xf32> to vector<16xf32>
    tpu.vector_store %arg6[%swap3A_177], %swap3A_180 {strides = array<i32>} : memref<1024xf32, #tpu.memory_space<vmem>>, vector<16xf32>,
    %broadcast_in_dim3A_181 = arith.constant 1.000000e+00 : f32
    %broadcast_in_dim3A_182 = vector.broadcast %broadcast_in_dim3A_181 : f32 to vector<16xf32>
    %swap3A_183 = arith.constant 480 : index
    %swap3A_184 = tpu.vector_load %arg6[%swap3A_183] {strides = array<i32>} : memref<1024xf32, #tpu.memory_space<vmem>>, vector<16xf32>,
    %swap3A_185 = vector.shape_cast %swap3A_184 : vector<16xf32> to vector<16xf32>
    %swap3A_186 = vector.shape_cast %broadcast_in_dim3A_182 : vector<16xf32> to vector<16xf32>
    tpu.vector_store %arg6[%swap3A_183], %swap3A_186 {strides = array<i32>} : memref<1024xf32, #tpu.memory_space<vmem>>, vector<16xf32>,
    %broadcast_in_dim3A_187 = arith.constant 1.000000e+00 : f32
    %broadcast_in_dim3A_188 = vector.broadcast %broadcast_in_dim3A_187 : f32 to vector<16xf32>
    %swap3A_189 = arith.constant 496 : index
    %swap3A_190 = tpu.vector_load %arg6[%swap3A_189] {strides = array<i32>} : memref<1024xf32, #tpu.memory_space<vmem>>, vector<16xf32>,
    %swap3A_191 = vector.shape_cast %swap3A_190 : vector<16xf32> to vector<16xf32>
    %swap3A_192 = vector.shape_cast %broadcast_in_dim3A_188 : vector<16xf32> to vector<16xf32>
    tpu.vector_store %arg6[%swap3A_189], %swap3A_192 {strides = array<i32>} : memref<1024xf32, #tpu.memory_space<vmem>>, vector<16xf32>,
    %broadcast_in_dim3A_193 = arith.constant 1.000000e+00 : f32
    %broadcast_in_dim3A_194 = vector.broadcast %broadcast_in_dim3A_193 : f32 to vector<16xf32>
    %swap3A_195 = arith.constant 512 : index
    %swap3A_196 = tpu.vector_load %arg6[%swap3A_195] {strides = array<i32>} : memref<1024xf32, #tpu.memory_space<vmem>>, vector<16xf32>,
    %swap3A_197 = vector.shape_cast %swap3A_196 : vector<16xf32> to vector<16xf32>
    %swap3A_198 = vector.shape_cast %broadcast_in_dim3A_194 : vector<16xf32> to vector<16xf32>
    tpu.vector_store %arg6[%swap3A_195], %swap3A_198 {strides = array<i32>} : memref<1024xf32, #tpu.memory_space<vmem>>, vector<16xf32>,
    %broadcast_in_dim3A_199 = arith.constant 1.000000e+00 : f32
    %broadcast_in_dim3A_200 = vector.broadcast %broadcast_in_dim3A_199 : f32 to vector<16xf32>
    %swap3A_201 = arith.constant 528 : index
    %swap3A_202 = tpu.vector_load %arg6[%swap3A_201] {strides = array<i32>} : memref<1024xf32, #tpu.memory_space<vmem>>, vector<16xf32>,
    %swap3A_203 = vector.shape_cast %swap3A_202 : vector<16xf32> to vector<16xf32>
    %swap3A_204 = vector.shape_cast %broadcast_in_dim3A_200 : vector<16xf32> to vector<16xf32>
    tpu.vector_store %arg6[%swap3A_201], %swap3A_204 {strides = array<i32>} : memref<1024xf32, #tpu.memory_space<vmem>>, vector<16xf32>,
    %broadcast_in_dim3A_205 = arith.constant 1.000000e+00 : f32
    %broadcast_in_dim3A_206 = vector.broadcast %broadcast_in_dim3A_205 : f32 to vector<16xf32>
    %swap3A_207 = arith.constant 544 : index
    %swap3A_208 = tpu.vector_load %arg6[%swap3A_207] {strides = array<i32>} : memref<1024xf32, #tpu.memory_space<vmem>>, vector<16xf32>,
    %swap3A_209 = vector.shape_cast %swap3A_208 : vector<16xf32> to vector<16xf32>
    %swap3A_210 = vector.shape_cast %broadcast_in_dim3A_206 : vector<16xf32> to vector<16xf32>
    tpu.vector_store %arg6[%swap3A_207], %swap3A_210 {strides = array<i32>} : memref<1024xf32, #tpu.memory_space<vmem>>, vector<16xf32>,
    %broadcast_in_dim3A_211 = arith.constant 1.000000e+00 : f32
    %broadcast_in_dim3A_212 = vector.broadcast %broadcast_in_dim3A_211 : f32 to vector<16xf32>
    %swap3A_213 = arith.constant 560 : index
    %swap3A_214 = tpu.vector_load %arg6[%swap3A_213] {strides = array<i32>} : memref<1024xf32, #tpu.memory_space<vmem>>, vector<16xf32>,
    %swap3A_215 = vector.shape_cast %swap3A_214 : vector<16xf32> to vector<16xf32>
    %swap3A_216 = vector.shape_cast %broadcast_in_dim3A_212 : vector<16xf32> to vector<16xf32>
    tpu.vector_store %arg6[%swap3A_213], %swap3A_216 {strides = array<i32>} : memref<1024xf32, #tpu.memory_space<vmem>>, vector<16xf32>,
    %broadcast_in_dim3A_217 = arith.constant 1.000000e+00 : f32
    %broadcast_in_dim3A_218 = vector.broadcast %broadcast_in_dim3A_217 : f32 to vector<16xf32>
    %swap3A_219 = arith.constant 576 : index
    %swap3A_220 = tpu.vector_load %arg6[%swap3A_219] {strides = array<i32>} : memref<1024xf32, #tpu.memory_space<vmem>>, vector<16xf32>,
    %swap3A_221 = vector.shape_cast %swap3A_220 : vector<16xf32> to vector<16xf32>
    %swap3A_222 = vector.shape_cast %broadcast_in_dim3A_218 : vector<16xf32> to vector<16xf32>
    tpu.vector_store %arg6[%swap3A_219], %swap3A_222 {strides = array<i32>} : memref<1024xf32, #tpu.memory_space<vmem>>, vector<16xf32>,
    %broadcast_in_dim3A_223 = arith.constant 1.000000e+00 : f32
    %broadcast_in_dim3A_224 = vector.broadcast %broadcast_in_dim3A_223 : f32 to vector<16xf32>
    %swap3A_225 = arith.constant 592 : index
    %swap3A_226 = tpu.vector_load %arg6[%swap3A_225] {strides = array<i32>} : memref<1024xf32, #tpu.memory_space<vmem>>, vector<16xf32>,
    %swap3A_227 = vector.shape_cast %swap3A_226 : vector<16xf32> to vector<16xf32>
    %swap3A_228 = vector.shape_cast %broadcast_in_dim3A_224 : vector<16xf32> to vector<16xf32>
    tpu.vector_store %arg6[%swap3A_225], %swap3A_228 {strides = array<i32>} : memref<1024xf32, #tpu.memory_space<vmem>>, vector<16xf32>,
    %broadcast_in_dim3A_229 = arith.constant 1.000000e+00 : f32
    %broadcast_in_dim3A_230 = vector.broadcast %broadcast_in_dim3A_229 : f32 to vector<16xf32>
    %swap3A_231 = arith.constant 608 : index
    %swap3A_232 = tpu.vector_load %arg6[%swap3A_231] {strides = array<i32>} : memref<1024xf32, #tpu.memory_space<vmem>>, vector<16xf32>,
    %swap3A_233 = vector.shape_cast %swap3A_232 : vector<16xf32> to vector<16xf32>
    %swap3A_234 = vector.shape_cast %broadcast_in_dim3A_230 : vector<16xf32> to vector<16xf32>
    tpu.vector_store %arg6[%swap3A_231], %swap3A_234 {strides = array<i32>} : memref<1024xf32, #tpu.memory_space<vmem>>, vector<16xf32>,
    %broadcast_in_dim3A_235 = arith.constant 1.000000e+00 : f32
    %broadcast_in_dim3A_236 = vector.broadcast %broadcast_in_dim3A_235 : f32 to vector<16xf32>
    %swap3A_237 = arith.constant 624 : index
    %swap3A_238 = tpu.vector_load %arg6[%swap3A_237] {strides = array<i32>} : memref<1024xf32, #tpu.memory_space<vmem>>, vector<16xf32>,
    %swap3A_239 = vector.shape_cast %swap3A_238 : vector<16xf32> to vector<16xf32>
    %swap3A_240 = vector.shape_cast %broadcast_in_dim3A_236 : vector<16xf32> to vector<16xf32>
    tpu.vector_store %arg6[%swap3A_237], %swap3A_240 {strides = array<i32>} : memref<1024xf32, #tpu.memory_space<vmem>>, vector<16xf32>,
    %broadcast_in_dim3A_241 = arith.constant 1.000000e+00 : f32
    %broadcast_in_dim3A_242 = vector.broadcast %broadcast_in_dim3A_241 : f32 to vector<16xf32>
    %swap3A_243 = arith.constant 640 : index
    %swap3A_244 = tpu.vector_load %arg6[%swap3A_243] {strides = array<i32>} : memref<1024xf32, #tpu.memory_space<vmem>>, vector<16xf32>,
    %swap3A_245 = vector.shape_cast %swap3A_244 : vector<16xf32> to vector<16xf32>
    %swap3A_246 = vector.shape_cast %broadcast_in_dim3A_242 : vector<16xf32> to vector<16xf32>
    tpu.vector_store %arg6[%swap3A_243], %swap3A_246 {strides = array<i32>} : memref<1024xf32, #tpu.memory_space<vmem>>, vector<16xf32>,
    %broadcast_in_dim3A_247 = arith.constant 1.000000e+00 : f32
    %broadcast_in_dim3A_248 = vector.broadcast %broadcast_in_dim3A_247 : f32 to vector<16xf32>
    %swap3A_249 = arith.constant 656 : index
    %swap3A_250 = tpu.vector_load %arg6[%swap3A_249] {strides = array<i32>} : memref<1024xf32, #tpu.memory_space<vmem>>, vector<16xf32>,
    %swap3A_251 = vector.shape_cast %swap3A_250 : vector<16xf32> to vector<16xf32>
    %swap3A_252 = vector.shape_cast %broadcast_in_dim3A_248 : vector<16xf32> to vector<16xf32>
    tpu.vector_store %arg6[%swap3A_249], %swap3A_252 {strides = array<i32>} : memref<1024xf32, #tpu.memory_space<vmem>>, vector<16xf32>,
    %broadcast_in_dim3A_253 = arith.constant 1.000000e+00 : f32
    %broadcast_in_dim3A_254 = vector.broadcast %broadcast_in_dim3A_253 : f32 to vector<16xf32>
    %swap3A_255 = arith.constant 672 : index
    %swap3A_256 = tpu.vector_load %arg6[%swap3A_255] {strides = array<i32>} : memref<1024xf32, #tpu.memory_space<vmem>>, vector<16xf32>,
    %swap3A_257 = vector.shape_cast %swap3A_256 : vector<16xf32> to vector<16xf32>
    %swap3A_258 = vector.shape_cast %broadcast_in_dim3A_254 : vector<16xf32> to vector<16xf32>
    tpu.vector_store %arg6[%swap3A_255], %swap3A_258 {strides = array<i32>} : memref<1024xf32, #tpu.memory_space<vmem>>, vector<16xf32>,
    %broadcast_in_dim3A_259 = arith.constant 1.000000e+00 : f32
    %broadcast_in_dim3A_260 = vector.broadcast %broadcast_in_dim3A_259 : f32 to vector<16xf32>
    %swap3A_261 = arith.constant 688 : index
    %swap3A_262 = tpu.vector_load %arg6[%swap3A_261] {strides = array<i32>} : memref<1024xf32, #tpu.memory_space<vmem>>, vector<16xf32>,
    %swap3A_263 = vector.shape_cast %swap3A_262 : vector<16xf32> to vector<16xf32>
    %swap3A_264 = vector.shape_cast %broadcast_in_dim3A_260 : vector<16xf32> to vector<16xf32>
    tpu.vector_store %arg6[%swap3A_261], %swap3A_264 {strides = array<i32>} : memref<1024xf32, #tpu.memory_space<vmem>>, vector<16xf32>,
    %broadcast_in_dim3A_265 = arith.constant 1.000000e+00 : f32
    %broadcast_in_dim3A_266 = vector.broadcast %broadcast_in_dim3A_265 : f32 to vector<16xf32>
    %swap3A_267 = arith.constant 704 : index
    %swap3A_268 = tpu.vector_load %arg6[%swap3A_267] {strides = array<i32>} : memref<1024xf32, #tpu.memory_space<vmem>>, vector<16xf32>,
    %swap3A_269 = vector.shape_cast %swap3A_268 : vector<16xf32> to vector<16xf32>
    %swap3A_270 = vector.shape_cast %broadcast_in_dim3A_266 : vector<16xf32> to vector<16xf32>
    tpu.vector_store %arg6[%swap3A_267], %swap3A_270 {strides = array<i32>} : memref<1024xf32, #tpu.memory_space<vmem>>, vector<16xf32>,
    %broadcast_in_dim3A_271 = arith.constant 1.000000e+00 : f32
    %broadcast_in_dim3A_272 = vector.broadcast %broadcast_in_dim3A_271 : f32 to vector<16xf32>
    %swap3A_273 = arith.constant 720 : index
    %swap3A_274 = tpu.vector_load %arg6[%swap3A_273] {strides = array<i32>} : memref<1024xf32, #tpu.memory_space<vmem>>, vector<16xf32>,
    %swap3A_275 = vector.shape_cast %swap3A_274 : vector<16xf32> to vector<16xf32>
    %swap3A_276 = vector.shape_cast %broadcast_in_dim3A_272 : vector<16xf32> to vector<16xf32>
    tpu.vector_store %arg6[%swap3A_273], %swap3A_276 {strides = array<i32>} : memref<1024xf32, #tpu.memory_space<vmem>>, vector<16xf32>,
    %broadcast_in_dim3A_277 = arith.constant 1.000000e+00 : f32
    %broadcast_in_dim3A_278 = vector.broadcast %broadcast_in_dim3A_277 : f32 to vector<16xf32>
    %swap3A_279 = arith.constant 736 : index
    %swap3A_280 = tpu.vector_load %arg6[%swap3A_279] {strides = array<i32>} : memref<1024xf32, #tpu.memory_space<vmem>>, vector<16xf32>,
    %swap3A_281 = vector.shape_cast %swap3A_280 : vector<16xf32> to vector<16xf32>
    %swap3A_282 = vector.shape_cast %broadcast_in_dim3A_278 : vector<16xf32> to vector<16xf32>
    tpu.vector_store %arg6[%swap3A_279], %swap3A_282 {strides = array<i32>} : memref<1024xf32, #tpu.memory_space<vmem>>, vector<16xf32>,
    %broadcast_in_dim3A_283 = arith.constant 1.000000e+00 : f32
    %broadcast_in_dim3A_284 = vector.broadcast %broadcast_in_dim3A_283 : f32 to vector<16xf32>
    %swap3A_285 = arith.constant 752 : index
    %swap3A_286 = tpu.vector_load %arg6[%swap3A_285] {strides = array<i32>} : memref<1024xf32, #tpu.memory_space<vmem>>, vector<16xf32>,
    %swap3A_287 = vector.shape_cast %swap3A_286 : vector<16xf32> to vector<16xf32>
    %swap3A_288 = vector.shape_cast %broadcast_in_dim3A_284 : vector<16xf32> to vector<16xf32>
    tpu.vector_store %arg6[%swap3A_285], %swap3A_288 {strides = array<i32>} : memref<1024xf32, #tpu.memory_space<vmem>>, vector<16xf32>,
    %broadcast_in_dim3A_289 = arith.constant 1.000000e+00 : f32
    %broadcast_in_dim3A_290 = vector.broadcast %broadcast_in_dim3A_289 : f32 to vector<16xf32>
    %swap3A_291 = arith.constant 768 : index
    %swap3A_292 = tpu.vector_load %arg6[%swap3A_291] {strides = array<i32>} : memref<1024xf32, #tpu.memory_space<vmem>>, vector<16xf32>,
    %swap3A_293 = vector.shape_cast %swap3A_292 : vector<16xf32> to vector<16xf32>
    %swap3A_294 = vector.shape_cast %broadcast_in_dim3A_290 : vector<16xf32> to vector<16xf32>
    tpu.vector_store %arg6[%swap3A_291], %swap3A_294 {strides = array<i32>} : memref<1024xf32, #tpu.memory_space<vmem>>, vector<16xf32>,
    %broadcast_in_dim3A_295 = arith.constant 1.000000e+00 : f32
    %broadcast_in_dim3A_296 = vector.broadcast %broadcast_in_dim3A_295 : f32 to vector<16xf32>
    %swap3A_297 = arith.constant 784 : index
    %swap3A_298 = tpu.vector_load %arg6[%swap3A_297] {strides = array<i32>} : memref<1024xf32, #tpu.memory_space<vmem>>, vector<16xf32>,
    %swap3A_299 = vector.shape_cast %swap3A_298 : vector<16xf32> to vector<16xf32>
    %swap3A_300 = vector.shape_cast %broadcast_in_dim3A_296 : vector<16xf32> to vector<16xf32>
    tpu.vector_store %arg6[%swap3A_297], %swap3A_300 {strides = array<i32>} : memref<1024xf32, #tpu.memory_space<vmem>>, vector<16xf32>,
    %broadcast_in_dim3A_301 = arith.constant 1.000000e+00 : f32
    %broadcast_in_dim3A_302 = vector.broadcast %broadcast_in_dim3A_301 : f32 to vector<16xf32>
    %swap3A_303 = arith.constant 800 : index
    %swap3A_304 = tpu.vector_load %arg6[%swap3A_303] {strides = array<i32>} : memref<1024xf32, #tpu.memory_space<vmem>>, vector<16xf32>,
    %swap3A_305 = vector.shape_cast %swap3A_304 : vector<16xf32> to vector<16xf32>
    %swap3A_306 = vector.shape_cast %broadcast_in_dim3A_302 : vector<16xf32> to vector<16xf32>
    tpu.vector_store %arg6[%swap3A_303], %swap3A_306 {strides = array<i32>} : memref<1024xf32, #tpu.memory_space<vmem>>, vector<16xf32>,
    %broadcast_in_dim3A_307 = arith.constant 1.000000e+00 : f32
    %broadcast_in_dim3A_308 = vector.broadcast %broadcast_in_dim3A_307 : f32 to vector<16xf32>
    %swap3A_309 = arith.constant 816 : index
    %swap3A_310 = tpu.vector_load %arg6[%swap3A_309] {strides = array<i32>} : memref<1024xf32, #tpu.memory_space<vmem>>, vector<16xf32>,
    %swap3A_311 = vector.shape_cast %swap3A_310 : vector<16xf32> to vector<16xf32>
    %swap3A_312 = vector.shape_cast %broadcast_in_dim3A_308 : vector<16xf32> to vector<16xf32>
    tpu.vector_store %arg6[%swap3A_309], %swap3A_312 {strides = array<i32>} : memref<1024xf32, #tpu.memory_space<vmem>>, vector<16xf32>,
    %broadcast_in_dim3A_313 = arith.constant 1.000000e+00 : f32
    %broadcast_in_dim3A_314 = vector.broadcast %broadcast_in_dim3A_313 : f32 to vector<16xf32>
    %swap3A_315 = arith.constant 832 : index
    %swap3A_316 = tpu.vector_load %arg6[%swap3A_315] {strides = array<i32>} : memref<1024xf32, #tpu.memory_space<vmem>>, vector<16xf32>,
    %swap3A_317 = vector.shape_cast %swap3A_316 : vector<16xf32> to vector<16xf32>
    %swap3A_318 = vector.shape_cast %broadcast_in_dim3A_314 : vector<16xf32> to vector<16xf32>
    tpu.vector_store %arg6[%swap3A_315], %swap3A_318 {strides = array<i32>} : memref<1024xf32, #tpu.memory_space<vmem>>, vector<16xf32>,
    %broadcast_in_dim3A_319 = arith.constant 1.000000e+00 : f32
    %broadcast_in_dim3A_320 = vector.broadcast %broadcast_in_dim3A_319 : f32 to vector<16xf32>
    %swap3A_321 = arith.constant 848 : index
    %swap3A_322 = tpu.vector_load %arg6[%swap3A_321] {strides = array<i32>} : memref<1024xf32, #tpu.memory_space<vmem>>, vector<16xf32>,
    %swap3A_323 = vector.shape_cast %swap3A_322 : vector<16xf32> to vector<16xf32>
    %swap3A_324 = vector.shape_cast %broadcast_in_dim3A_320 : vector<16xf32> to vector<16xf32>
    tpu.vector_store %arg6[%swap3A_321], %swap3A_324 {strides = array<i32>} : memref<1024xf32, #tpu.memory_space<vmem>>, vector<16xf32>,
    %broadcast_in_dim3A_325 = arith.constant 1.000000e+00 : f32
    %broadcast_in_dim3A_326 = vector.broadcast %broadcast_in_dim3A_325 : f32 to vector<16xf32>
    %swap3A_327 = arith.constant 864 : index
    %swap3A_328 = tpu.vector_load %arg6[%swap3A_327] {strides = array<i32>} : memref<1024xf32, #tpu.memory_space<vmem>>, vector<16xf32>,
    %swap3A_329 = vector.shape_cast %swap3A_328 : vector<16xf32> to vector<16xf32>
    %swap3A_330 = vector.shape_cast %broadcast_in_dim3A_326 : vector<16xf32> to vector<16xf32>
    tpu.vector_store %arg6[%swap3A_327], %swap3A_330 {strides = array<i32>} : memref<1024xf32, #tpu.memory_space<vmem>>, vector<16xf32>,
    %broadcast_in_dim3A_331 = arith.constant 1.000000e+00 : f32
    %broadcast_in_dim3A_332 = vector.broadcast %broadcast_in_dim3A_331 : f32 to vector<16xf32>
    %swap3A_333 = arith.constant 880 : index
    %swap3A_334 = tpu.vector_load %arg6[%swap3A_333] {strides = array<i32>} : memref<1024xf32, #tpu.memory_space<vmem>>, vector<16xf32>,
    %swap3A_335 = vector.shape_cast %swap3A_334 : vector<16xf32> to vector<16xf32>
    %swap3A_336 = vector.shape_cast %broadcast_in_dim3A_332 : vector<16xf32> to vector<16xf32>
    tpu.vector_store %arg6[%swap3A_333], %swap3A_336 {strides = array<i32>} : memref<1024xf32, #tpu.memory_space<vmem>>, vector<16xf32>,
    %broadcast_in_dim3A_337 = arith.constant 1.000000e+00 : f32
    %broadcast_in_dim3A_338 = vector.broadcast %broadcast_in_dim3A_337 : f32 to vector<16xf32>
    %swap3A_339 = arith.constant 896 : index
    %swap3A_340 = tpu.vector_load %arg6[%swap3A_339] {strides = array<i32>} : memref<1024xf32, #tpu.memory_space<vmem>>, vector<16xf32>,
    %swap3A_341 = vector.shape_cast %swap3A_340 : vector<16xf32> to vector<16xf32>
    %swap3A_342 = vector.shape_cast %broadcast_in_dim3A_338 : vector<16xf32> to vector<16xf32>
    tpu.vector_store %arg6[%swap3A_339], %swap3A_342 {strides = array<i32>} : memref<1024xf32, #tpu.memory_space<vmem>>, vector<16xf32>,
    %broadcast_in_dim3A_343 = arith.constant 1.000000e+00 : f32
    %broadcast_in_dim3A_344 = vector.broadcast %broadcast_in_dim3A_343 : f32 to vector<16xf32>
    %swap3A_345 = arith.constant 912 : index
    %swap3A_346 = tpu.vector_load %arg6[%swap3A_345] {strides = array<i32>} : memref<1024xf32, #tpu.memory_space<vmem>>, vector<16xf32>,
    %swap3A_347 = vector.shape_cast %swap3A_346 : vector<16xf32> to vector<16xf32>
    %swap3A_348 = vector.shape_cast %broadcast_in_dim3A_344 : vector<16xf32> to vector<16xf32>
    tpu.vector_store %arg6[%swap3A_345], %swap3A_348 {strides = array<i32>} : memref<1024xf32, #tpu.memory_space<vmem>>, vector<16xf32>,
    %broadcast_in_dim3A_349 = arith.constant 1.000000e+00 : f32
    %broadcast_in_dim3A_350 = vector.broadcast %broadcast_in_dim3A_349 : f32 to vector<16xf32>
    %swap3A_351 = arith.constant 928 : index
    %swap3A_352 = tpu.vector_load %arg6[%swap3A_351] {strides = array<i32>} : memref<1024xf32, #tpu.memory_space<vmem>>, vector<16xf32>,
    %swap3A_353 = vector.shape_cast %swap3A_352 : vector<16xf32> to vector<16xf32>
    %swap3A_354 = vector.shape_cast %broadcast_in_dim3A_350 : vector<16xf32> to vector<16xf32>
    tpu.vector_store %arg6[%swap3A_351], %swap3A_354 {strides = array<i32>} : memref<1024xf32, #tpu.memory_space<vmem>>, vector<16xf32>,
    %broadcast_in_dim3A_355 = arith.constant 1.000000e+00 : f32
    %broadcast_in_dim3A_356 = vector.broadcast %broadcast_in_dim3A_355 : f32 to vector<16xf32>
    %swap3A_357 = arith.constant 944 : index
    %swap3A_358 = tpu.vector_load %arg6[%swap3A_357] {strides = array<i32>} : memref<1024xf32, #tpu.memory_space<vmem>>, vector<16xf32>,
    %swap3A_359 = vector.shape_cast %swap3A_358 : vector<16xf32> to vector<16xf32>
    %swap3A_360 = vector.shape_cast %broadcast_in_dim3A_356 : vector<16xf32> to vector<16xf32>
    tpu.vector_store %arg6[%swap3A_357], %swap3A_360 {strides = array<i32>} : memref<1024xf32, #tpu.memory_space<vmem>>, vector<16xf32>,
    %broadcast_in_dim3A_361 = arith.constant 1.000000e+00 : f32
    %broadcast_in_dim3A_362 = vector.broadcast %broadcast_in_dim3A_361 : f32 to vector<16xf32>
    %swap3A_363 = arith.constant 960 : index
    %swap3A_364 = tpu.vector_load %arg6[%swap3A_363] {strides = array<i32>} : memref<1024xf32, #tpu.memory_space<vmem>>, vector<16xf32>,
    %swap3A_365 = vector.shape_cast %swap3A_364 : vector<16xf32> to vector<16xf32>
    %swap3A_366 = vector.shape_cast %broadcast_in_dim3A_362 : vector<16xf32> to vector<16xf32>
    tpu.vector_store %arg6[%swap3A_363], %swap3A_366 {strides = array<i32>} : memref<1024xf32, #tpu.memory_space<vmem>>, vector<16xf32>,
    %broadcast_in_dim3A_367 = arith.constant 1.000000e+00 : f32
    %broadcast_in_dim3A_368 = vector.broadcast %broadcast_in_dim3A_367 : f32 to vector<16xf32>
    %swap3A_369 = arith.constant 976 : index
    %swap3A_370 = tpu.vector_load %arg6[%swap3A_369] {strides = array<i32>} : memref<1024xf32, #tpu.memory_space<vmem>>, vector<16xf32>,
    %swap3A_371 = vector.shape_cast %swap3A_370 : vector<16xf32> to vector<16xf32>
    %swap3A_372 = vector.shape_cast %broadcast_in_dim3A_368 : vector<16xf32> to vector<16xf32>
    tpu.vector_store %arg6[%swap3A_369], %swap3A_372 {strides = array<i32>} : memref<1024xf32, #tpu.memory_space<vmem>>, vector<16xf32>,
    %broadcast_in_dim3A_373 = arith.constant 1.000000e+00 : f32
    %broadcast_in_dim3A_374 = vector.broadcast %broadcast_in_dim3A_373 : f32 to vector<16xf32>
    %swap3A_375 = arith.constant 992 : index
    %swap3A_376 = tpu.vector_load %arg6[%swap3A_375] {strides = array<i32>} : memref<1024xf32, #tpu.memory_space<vmem>>, vector<16xf32>,
    %swap3A_377 = vector.shape_cast %swap3A_376 : vector<16xf32> to vector<16xf32>
    %swap3A_378 = vector.shape_cast %broadcast_in_dim3A_374 : vector<16xf32> to vector<16xf32>
    tpu.vector_store %arg6[%swap3A_375], %swap3A_378 {strides = array<i32>} : memref<1024xf32, #tpu.memory_space<vmem>>, vector<16xf32>,
    %broadcast_in_dim3A_379 = arith.constant 1.000000e+00 : f32
    %broadcast_in_dim3A_380 = vector.broadcast %broadcast_in_dim3A_379 : f32 to vector<16xf32>
    %swap3A_381 = arith.constant 1008 : index
    %swap3A_382 = tpu.vector_load %arg6[%swap3A_381] {strides = array<i32>} : memref<1024xf32, #tpu.memory_space<vmem>>, vector<16xf32>,
    %swap3A_383 = vector.shape_cast %swap3A_382 : vector<16xf32> to vector<16xf32>
    %swap3A_384 = vector.shape_cast %broadcast_in_dim3A_380 : vector<16xf32> to vector<16xf32>
    tpu.vector_store %arg6[%swap3A_381], %swap3A_384 {strides = array<i32>} : memref<1024xf32, #tpu.memory_space<vmem>>, vector<16xf32>,
    %barrier3A = arith.constant 0 : index
    tpu.barrier barrier_id(%barrier3A)
    %scan3A = arith.constant 0 : i32
    %scan3A_385 = arith.constant 0 : i32
    %scan3A_386 = arith.constant 10 : i32
    %scan3A_387 = arith.addi %scan3A_385, %scan3A_386 : i32
    %scan3A_388 = arith.constant 1 : i32
    scf.for %scan3A_391 = %scan3A_385 to %scan3A_387 step %scan3A_388  : i32 {
      "tpu.region"() ({
        %run_scoped3A = tpu.sem_alloc : memref<!tpu.dma_semaphore, #tpu.memory_space<semaphore_mem>>
        %dma_start3A = arith.constant 0 : i32
        %dma_start3A_392 = tpu.memref_slice %arg5[%scan3A_391, %dma_start3A] : memref<10x1024xi32, #tpu.memory_space<vmem>> -> memref<1x1024xi32, #tpu.memory_space<vmem>>
        %dma_start3A_393 = tpu.memref_squeeze %dma_start3A_392 : memref<1x1024xi32, #tpu.memory_space<vmem>> -> memref<1024xi32, #tpu.memory_space<vmem>>
        %dma_start3A_394 = arith.constant 0 : i32
        %dma_start3A_395 = tpu.memref_slice %arg7[%dma_start3A_394] : memref<10112xf32, #tpu.memory_space<vmem_shared>> -> memref<10112xf32, #tpu.memory_space<vmem_shared>>
        tpu.enqueue_indirect_dma source(%arg6 : memref<1024xf32, #tpu.memory_space<vmem>>) target(%dma_start3A_395 : memref<10112xf32, #tpu.memory_space<vmem_shared>>) offsets(%dma_start3A_393 : memref<1024xi32, #tpu.memory_space<vmem>>) semaphore(%run_scoped3A : memref<!tpu.dma_semaphore, #tpu.memory_space<semaphore_mem>>) {add = true}
        %dma_wait3A = arith.constant 0 : i32
        %dma_wait3A_396 = tpu.memref_slice %arg5[%scan3A_391, %dma_wait3A] : memref<10x1024xi32, #tpu.memory_space<vmem>> -> memref<1x1024xi32, #tpu.memory_space<vmem>>
        %dma_wait3A_397 = tpu.memref_squeeze %dma_wait3A_396 : memref<1x1024xi32, #tpu.memory_space<vmem>> -> memref<1024xi32, #tpu.memory_space<vmem>>
        %dma_wait3A_398 = arith.constant 0 : i32
        %dma_wait3A_399 = tpu.memref_slice %arg7[%dma_wait3A_398] : memref<10112xf32, #tpu.memory_space<vmem_shared>> -> memref<10112xf32, #tpu.memory_space<vmem_shared>>
        tpu.wait_indirect_dma semaphore(%run_scoped3A : memref<!tpu.dma_semaphore, #tpu.memory_space<semaphore_mem>>) src(%arg6 : memref<1024xf32, #tpu.memory_space<vmem>>) dst(%dma_wait3A_399 : memref<10112xf32, #tpu.memory_space<vmem_shared>>)
        tpu.yield
      }) : () -> ()
    }
    %scan3A_389 = arith.constant 10 : i32
    %barrier3A_390 = arith.constant 0 : index
    tpu.barrier barrier_id(%barrier3A_390)
    "tpu.region"() ({
      %run_scoped3A = tpu.sem_alloc : memref<!tpu.dma_semaphore, #tpu.memory_space<semaphore_mem>>
      %dma_start3A = tpu.memref_slice %arg4[%arg0, %mul3A_2] : memref<2x10112xf32, #tpu.memory_space<hbm>> -> memref<1x632xf32, #tpu.memory_space<hbm>>
      %dma_start3A_391 = tpu.memref_squeeze %dma_start3A : memref<1x632xf32, #tpu.memory_space<hbm>> -> memref<632xf32, #tpu.memory_space<hbm>>
      %dma_start3A_392 = tpu.memref_slice %arg7[%mul3A_2] : memref<10112xf32, #tpu.memory_space<vmem_shared>> -> memref<632xf32, #tpu.memory_space<vmem_shared>>
      tpu.enqueue_dma source(%dma_start3A_392 : memref<632xf32, #tpu.memory_space<vmem_shared>>) target(%dma_start3A_391 : memref<632xf32, #tpu.memory_space<hbm>>) target_semaphore(%run_scoped3A : memref<!tpu.dma_semaphore, #tpu.memory_space<semaphore_mem>>)
      %dma_wait3A = tpu.memref_slice %arg4[%arg0, %mul3A_2] : memref<2x10112xf32, #tpu.memory_space<hbm>> -> memref<1x632xf32, #tpu.memory_space<hbm>>
      %dma_wait3A_393 = tpu.memref_squeeze %dma_wait3A : memref<1x632xf32, #tpu.memory_space<hbm>> -> memref<632xf32, #tpu.memory_space<hbm>>
      %dma_wait3A_394 = tpu.memref_slice %arg7[%mul3A_2] : memref<10112xf32, #tpu.memory_space<vmem_shared>> -> memref<632xf32, #tpu.memory_space<vmem_shared>>
      tpu.wait_dma2 semaphore(%run_scoped3A : memref<!tpu.dma_semaphore, #tpu.memory_space<semaphore_mem>>) src(%dma_wait3A_394 : memref<632xf32, #tpu.memory_space<vmem_shared>>) dst(%dma_wait3A_393 : memref<632xf32, #tpu.memory_space<hbm>>)
      tpu.yield
    }) : () -> ()
    return
  }
}

#map = affine_map<(d0, d1) -> (0, 0)>
#map1 = affine_map<(d0, d1) -> (0, 0, 0)>
module attributes {stable_mosaic.version = 14 : i64} {
  func.func @_scatter_kernel(%arg0: i32, %arg1: i32, %arg2: memref<10112x32xf32, #tpu.memory_space<hbm>>, %arg3: memref<632x32xf32, #tpu.memory_space<hbm>>, %arg4: memref<32x10x1024xi32, #tpu.memory_space<hbm>>, %arg5: memref<32x10x1024xi32, #tpu.memory_space<hbm>>, %arg6: memref<2x10112x32xf32, #tpu.memory_space<hbm>>, %arg7: memref<10x1024xi32, #tpu.memory_space<vmem>>, %arg8: memref<10x1024xi32, #tpu.memory_space<vmem>>, %arg9: memref<2x1024x32xf32, #tpu.memory_space<vmem>>, %arg10: memref<10112x32xf32, #tpu.memory_space<vmem_shared>>, %arg11: memref<10112x32xf32, #tpu.memory_space<vmem_shared>>, %arg12: memref<!tpu.dma_semaphore, #tpu.memory_space<semaphore_mem>>, %arg13: memref<!tpu.dma_semaphore, #tpu.memory_space<semaphore_mem>>) attributes {dimension_semantics = [#tpu.dimension_semantics<core_parallel>, #tpu.dimension_semantics<subcore_parallel>], iteration_bounds = array<i64: 2, 16>, scalar_prefetch = 0 : i64, scratch_operands = 7 : i64, tpu.core_type = #tpu.core_type<sc_vector_subcore>, window_params = [{transform_indices = #map}, {transform_indices = #map}, {transform_indices = #map1}, {transform_indices = #map1}, {transform_indices = #map1}]} {
    %mul3A = arith.constant 16 : i32
    %mul3A_0 = arith.muli %arg0, %mul3A : i32
    %add3A = arith.addi %mul3A_0, %arg1 : i32
    %mul3A_1 = arith.constant 632 : i32
    %mul3A_2 = arith.muli %arg1, %mul3A_1 : i32
    %eq3A = arith.constant 0 : i32
    %eq3A_3 = arith.cmpi eq, %arg0, %eq3A : i32
    %convert_element_type3A = arith.extui %eq3A_3 : i1 to i32
    %cond3A = arith.constant 0 : i32
    %cond3A_4 = arith.cmpi ne, %convert_element_type3A, %cond3A : i32
    scf.if %cond3A_4 {
      "tpu.region"() ({
        %run_scoped3A = tpu.sem_alloc : memref<!tpu.dma_semaphore, #tpu.memory_space<semaphore_mem>>
        %dma_start3A_26 = arith.constant 0 : i32
        %dma_start3A_27 = tpu.memref_slice %arg10[%mul3A_2, %dma_start3A_26] : memref<10112x32xf32, #tpu.memory_space<vmem_shared>> -> memref<632x32xf32, #tpu.memory_space<vmem_shared>>
        %dma_start3A_28 = arith.constant 0 : i32
        %dma_start3A_29 = tpu.memref_slice %arg2[%mul3A_2, %dma_start3A_28] : memref<10112x32xf32, #tpu.memory_space<hbm>> -> memref<632x32xf32, #tpu.memory_space<hbm>>
        tpu.enqueue_dma source(%dma_start3A_29 : memref<632x32xf32, #tpu.memory_space<hbm>>) target(%dma_start3A_27 : memref<632x32xf32, #tpu.memory_space<vmem_shared>>) target_semaphore(%run_scoped3A : memref<!tpu.dma_semaphore, #tpu.memory_space<semaphore_mem>>)
        %dma_wait3A = arith.constant 0 : i32
        %dma_wait3A_30 = tpu.memref_slice %arg10[%mul3A_2, %dma_wait3A] : memref<10112x32xf32, #tpu.memory_space<vmem_shared>> -> memref<632x32xf32, #tpu.memory_space<vmem_shared>>
        %dma_wait3A_31 = arith.constant 0 : i32
        %dma_wait3A_32 = tpu.memref_slice %arg2[%mul3A_2, %dma_wait3A_31] : memref<10112x32xf32, #tpu.memory_space<hbm>> -> memref<632x32xf32, #tpu.memory_space<hbm>>
        tpu.wait_dma2 semaphore(%run_scoped3A : memref<!tpu.dma_semaphore, #tpu.memory_space<semaphore_mem>>) src(%dma_wait3A_32 : memref<632x32xf32, #tpu.memory_space<hbm>>) dst(%dma_wait3A_30 : memref<632x32xf32, #tpu.memory_space<vmem_shared>>)
        tpu.yield
      }) : () -> ()
    } else {
    }
    %ne3A = arith.constant 0 : i32
    %ne3A_5 = arith.cmpi ne, %arg0, %ne3A : i32
    %convert_element_type3A_6 = arith.extui %ne3A_5 : i1 to i32
    %cond3A_7 = arith.constant 0 : i32
    %cond3A_8 = arith.cmpi ne, %convert_element_type3A_6, %cond3A_7 : i32
    scf.if %cond3A_8 {
      "tpu.region"() ({
        %run_scoped3A = tpu.sem_alloc : memref<!tpu.dma_semaphore, #tpu.memory_space<semaphore_mem>>
        %dma_start3A_26 = arith.constant 0 : i32
        %dma_start3A_27 = tpu.memref_slice %arg10[%mul3A_2, %dma_start3A_26] : memref<10112x32xf32, #tpu.memory_space<vmem_shared>> -> memref<632x32xf32, #tpu.memory_space<vmem_shared>>
        tpu.enqueue_dma source(%arg3 : memref<632x32xf32, #tpu.memory_space<hbm>>) target(%dma_start3A_27 : memref<632x32xf32, #tpu.memory_space<vmem_shared>>) target_semaphore(%run_scoped3A : memref<!tpu.dma_semaphore, #tpu.memory_space<semaphore_mem>>)
        %dma_wait3A = arith.constant 0 : i32
        %dma_wait3A_28 = tpu.memref_slice %arg10[%mul3A_2, %dma_wait3A] : memref<10112x32xf32, #tpu.memory_space<vmem_shared>> -> memref<632x32xf32, #tpu.memory_space<vmem_shared>>
        tpu.wait_dma2 semaphore(%run_scoped3A : memref<!tpu.dma_semaphore, #tpu.memory_space<semaphore_mem>>) src(%arg3 : memref<632x32xf32, #tpu.memory_space<hbm>>) dst(%dma_wait3A_28 : memref<632x32xf32, #tpu.memory_space<vmem_shared>>)
        tpu.yield
      }) : () -> ()
    } else {
    }
    "tpu.region"() ({
      %run_scoped3A = tpu.sem_alloc : memref<!tpu.dma_semaphore, #tpu.memory_space<semaphore_mem>>
      %dma_start3A_26 = arith.constant 0 : i32
      %dma_start3A_27 = tpu.memref_slice %arg11[%mul3A_2, %dma_start3A_26] : memref<10112x32xf32, #tpu.memory_space<vmem_shared>> -> memref<632x32xf32, #tpu.memory_space<vmem_shared>>
      %dma_start3A_28 = arith.constant 0 : i32
      %dma_start3A_29 = tpu.memref_slice %arg2[%mul3A_2, %dma_start3A_28] : memref<10112x32xf32, #tpu.memory_space<hbm>> -> memref<632x32xf32, #tpu.memory_space<hbm>>
      tpu.enqueue_dma source(%dma_start3A_29 : memref<632x32xf32, #tpu.memory_space<hbm>>) target(%dma_start3A_27 : memref<632x32xf32, #tpu.memory_space<vmem_shared>>) target_semaphore(%run_scoped3A : memref<!tpu.dma_semaphore, #tpu.memory_space<semaphore_mem>>)
      %dma_wait3A = arith.constant 0 : i32
      %dma_wait3A_30 = tpu.memref_slice %arg11[%mul3A_2, %dma_wait3A] : memref<10112x32xf32, #tpu.memory_space<vmem_shared>> -> memref<632x32xf32, #tpu.memory_space<vmem_shared>>
      %dma_wait3A_31 = arith.constant 0 : i32
      %dma_wait3A_32 = tpu.memref_slice %arg2[%mul3A_2, %dma_wait3A_31] : memref<10112x32xf32, #tpu.memory_space<hbm>> -> memref<632x32xf32, #tpu.memory_space<hbm>>
      tpu.wait_dma2 semaphore(%run_scoped3A : memref<!tpu.dma_semaphore, #tpu.memory_space<semaphore_mem>>) src(%dma_wait3A_32 : memref<632x32xf32, #tpu.memory_space<hbm>>) dst(%dma_wait3A_30 : memref<632x32xf32, #tpu.memory_space<vmem_shared>>)
      tpu.yield
    }) : () -> ()
    "tpu.region"() ({
      %run_scoped3A = tpu.sem_alloc : memref<!tpu.dma_semaphore, #tpu.memory_space<semaphore_mem>>
      %dma_start3A_26 = arith.constant 0 : i32
      %dma_start3A_27 = arith.constant 0 : i32
      %dma_start3A_28 = tpu.memref_slice %arg4[%add3A, %dma_start3A_26, %dma_start3A_27] : memref<32x10x1024xi32, #tpu.memory_space<hbm>> -> memref<1x10x1024xi32, #tpu.memory_space<hbm>>
      %dma_start3A_29 = tpu.memref_squeeze %dma_start3A_28 : memref<1x10x1024xi32, #tpu.memory_space<hbm>> -> memref<10x1024xi32, #tpu.memory_space<hbm>>
      %dma_start3A_30 = arith.constant 0 : i32
      %dma_start3A_31 = arith.constant 0 : i32
      %dma_start3A_32 = tpu.memref_slice %arg4[%add3A, %dma_start3A_30, %dma_start3A_31] : memref<32x10x1024xi32, #tpu.memory_space<hbm>> -> memref<1x10x1024xi32, #tpu.memory_space<hbm>>
      %dma_start3A_33 = tpu.memref_squeeze %dma_start3A_32 : memref<1x10x1024xi32, #tpu.memory_space<hbm>> -> memref<10x1024xi32, #tpu.memory_space<hbm>>
      tpu.enqueue_dma source(%dma_start3A_33 : memref<10x1024xi32, #tpu.memory_space<hbm>>) target(%arg7 : memref<10x1024xi32, #tpu.memory_space<vmem>>) target_semaphore(%run_scoped3A : memref<!tpu.dma_semaphore, #tpu.memory_space<semaphore_mem>>)
      %dma_wait3A = arith.constant 0 : i32
      %dma_wait3A_34 = arith.constant 0 : i32
      %dma_wait3A_35 = tpu.memref_slice %arg4[%add3A, %dma_wait3A, %dma_wait3A_34] : memref<32x10x1024xi32, #tpu.memory_space<hbm>> -> memref<1x10x1024xi32, #tpu.memory_space<hbm>>
      %dma_wait3A_36 = tpu.memref_squeeze %dma_wait3A_35 : memref<1x10x1024xi32, #tpu.memory_space<hbm>> -> memref<10x1024xi32, #tpu.memory_space<hbm>>
      %dma_wait3A_37 = arith.constant 0 : i32
      %dma_wait3A_38 = arith.constant 0 : i32
      %dma_wait3A_39 = tpu.memref_slice %arg4[%add3A, %dma_wait3A_37, %dma_wait3A_38] : memref<32x10x1024xi32, #tpu.memory_space<hbm>> -> memref<1x10x1024xi32, #tpu.memory_space<hbm>>
      %dma_wait3A_40 = tpu.memref_squeeze %dma_wait3A_39 : memref<1x10x1024xi32, #tpu.memory_space<hbm>> -> memref<10x1024xi32, #tpu.memory_space<hbm>>
      tpu.wait_dma2 semaphore(%run_scoped3A : memref<!tpu.dma_semaphore, #tpu.memory_space<semaphore_mem>>) src(%dma_wait3A_40 : memref<10x1024xi32, #tpu.memory_space<hbm>>) dst(%arg7 : memref<10x1024xi32, #tpu.memory_space<vmem>>)
      tpu.yield
    }) : () -> ()
    "tpu.region"() ({
      %run_scoped3A = tpu.sem_alloc : memref<!tpu.dma_semaphore, #tpu.memory_space<semaphore_mem>>
      %dma_start3A_26 = arith.constant 0 : i32
      %dma_start3A_27 = arith.constant 0 : i32
      %dma_start3A_28 = tpu.memref_slice %arg5[%add3A, %dma_start3A_26, %dma_start3A_27] : memref<32x10x1024xi32, #tpu.memory_space<hbm>> -> memref<1x10x1024xi32, #tpu.memory_space<hbm>>
      %dma_start3A_29 = tpu.memref_squeeze %dma_start3A_28 : memref<1x10x1024xi32, #tpu.memory_space<hbm>> -> memref<10x1024xi32, #tpu.memory_space<hbm>>
      %dma_start3A_30 = arith.constant 0 : i32
      %dma_start3A_31 = arith.constant 0 : i32
      %dma_start3A_32 = tpu.memref_slice %arg5[%add3A, %dma_start3A_30, %dma_start3A_31] : memref<32x10x1024xi32, #tpu.memory_space<hbm>> -> memref<1x10x1024xi32, #tpu.memory_space<hbm>>
      %dma_start3A_33 = tpu.memref_squeeze %dma_start3A_32 : memref<1x10x1024xi32, #tpu.memory_space<hbm>> -> memref<10x1024xi32, #tpu.memory_space<hbm>>
      tpu.enqueue_dma source(%dma_start3A_33 : memref<10x1024xi32, #tpu.memory_space<hbm>>) target(%arg8 : memref<10x1024xi32, #tpu.memory_space<vmem>>) target_semaphore(%run_scoped3A : memref<!tpu.dma_semaphore, #tpu.memory_space<semaphore_mem>>)
      %dma_wait3A = arith.constant 0 : i32
      %dma_wait3A_34 = arith.constant 0 : i32
      %dma_wait3A_35 = tpu.memref_slice %arg5[%add3A, %dma_wait3A, %dma_wait3A_34] : memref<32x10x1024xi32, #tpu.memory_space<hbm>> -> memref<1x10x1024xi32, #tpu.memory_space<hbm>>
      %dma_wait3A_36 = tpu.memref_squeeze %dma_wait3A_35 : memref<1x10x1024xi32, #tpu.memory_space<hbm>> -> memref<10x1024xi32, #tpu.memory_space<hbm>>
      %dma_wait3A_37 = arith.constant 0 : i32
      %dma_wait3A_38 = arith.constant 0 : i32
      %dma_wait3A_39 = tpu.memref_slice %arg5[%add3A, %dma_wait3A_37, %dma_wait3A_38] : memref<32x10x1024xi32, #tpu.memory_space<hbm>> -> memref<1x10x1024xi32, #tpu.memory_space<hbm>>
      %dma_wait3A_40 = tpu.memref_squeeze %dma_wait3A_39 : memref<1x10x1024xi32, #tpu.memory_space<hbm>> -> memref<10x1024xi32, #tpu.memory_space<hbm>>
      tpu.wait_dma2 semaphore(%run_scoped3A : memref<!tpu.dma_semaphore, #tpu.memory_space<semaphore_mem>>) src(%dma_wait3A_40 : memref<10x1024xi32, #tpu.memory_space<hbm>>) dst(%arg8 : memref<10x1024xi32, #tpu.memory_space<vmem>>)
      tpu.yield
    }) : () -> ()
    %barrier3A = arith.constant 0 : index
    tpu.barrier barrier_id(%barrier3A)
    %dma_start3A = arith.constant 0 : i32
    %dma_start3A_9 = arith.constant 0 : i32
    %dma_start3A_10 = arith.constant 0 : i32
    %dma_start3A_11 = arith.constant 0 : i32
    %dma_start3A_12 = tpu.memref_slice %arg9[%dma_start3A_9, %dma_start3A_10, %dma_start3A_11] : memref<2x1024x32xf32, #tpu.memory_space<vmem>> -> memref<1x1024x32xf32, #tpu.memory_space<vmem>>
    %dma_start3A_13 = tpu.memref_squeeze %dma_start3A_12 : memref<1x1024x32xf32, #tpu.memory_space<vmem>> -> memref<1024x32xf32, #tpu.memory_space<vmem>>
    %dma_start3A_14 = arith.constant 0 : i32
    %dma_start3A_15 = tpu.memref_slice %arg7[%dma_start3A, %dma_start3A_14] : memref<10x1024xi32, #tpu.memory_space<vmem>> -> memref<1x1024xi32, #tpu.memory_space<vmem>>
    %dma_start3A_16 = tpu.memref_squeeze %dma_start3A_15 : memref<1x1024xi32, #tpu.memory_space<vmem>> -> memref<1024xi32, #tpu.memory_space<vmem>>
    %dma_start3A_17 = arith.constant 0 : i32
    %dma_start3A_18 = arith.constant 0 : i32
    %dma_start3A_19 = tpu.memref_slice %arg11[%dma_start3A_17, %dma_start3A_18] : memref<10112x32xf32, #tpu.memory_space<vmem_shared>> -> memref<10112x32xf32, #tpu.memory_space<vmem_shared>>
    tpu.enqueue_indirect_dma source(%dma_start3A_19 : memref<10112x32xf32, #tpu.memory_space<vmem_shared>>) target(%dma_start3A_13 : memref<1024x32xf32, #tpu.memory_space<vmem>>) offsets(%dma_start3A_16 : memref<1024xi32, #tpu.memory_space<vmem>>) semaphore(%arg12 : memref<!tpu.dma_semaphore, #tpu.memory_space<semaphore_mem>>)
    %scan3A = arith.constant 0 : i32
    %scan3A_20 = arith.constant 0 : i32
    %scan3A_21 = arith.constant 5 : i32
    %scan3A_22 = arith.addi %scan3A_20, %scan3A_21 : i32
    %scan3A_23 = arith.constant 1 : i32
    scf.for %scan3A_26 = %scan3A_20 to %scan3A_22 step %scan3A_23  : i32 {
      %mul3A_27 = arith.constant 2 : i32
      %mul3A_28 = arith.muli %mul3A_27, %scan3A_26 : i32
      %add3A_29 = arith.constant 1 : i32
      %add3A_30 = arith.addi %mul3A_28, %add3A_29 : i32
      %dma_start3A_31 = arith.constant 1 : i32
      %dma_start3A_32 = arith.constant 0 : i32
      %dma_start3A_33 = arith.constant 0 : i32
      %dma_start3A_34 = tpu.memref_slice %arg9[%dma_start3A_31, %dma_start3A_32, %dma_start3A_33] : memref<2x1024x32xf32, #tpu.memory_space<vmem>> -> memref<1x1024x32xf32, #tpu.memory_space<vmem>>
      %dma_start3A_35 = tpu.memref_squeeze %dma_start3A_34 : memref<1x1024x32xf32, #tpu.memory_space<vmem>> -> memref<1024x32xf32, #tpu.memory_space<vmem>>
      %dma_start3A_36 = arith.constant 0 : i32
      %dma_start3A_37 = tpu.memref_slice %arg7[%add3A_30, %dma_start3A_36] : memref<10x1024xi32, #tpu.memory_space<vmem>> -> memref<1x1024xi32, #tpu.memory_space<vmem>>
      %dma_start3A_38 = tpu.memref_squeeze %dma_start3A_37 : memref<1x1024xi32, #tpu.memory_space<vmem>> -> memref<1024xi32, #tpu.memory_space<vmem>>
      %dma_start3A_39 = arith.constant 0 : i32
      %dma_start3A_40 = arith.constant 0 : i32
      %dma_start3A_41 = tpu.memref_slice %arg11[%dma_start3A_39, %dma_start3A_40] : memref<10112x32xf32, #tpu.memory_space<vmem_shared>> -> memref<10112x32xf32, #tpu.memory_space<vmem_shared>>
      tpu.enqueue_indirect_dma source(%dma_start3A_41 : memref<10112x32xf32, #tpu.memory_space<vmem_shared>>) target(%dma_start3A_35 : memref<1024x32xf32, #tpu.memory_space<vmem>>) offsets(%dma_start3A_38 : memref<1024xi32, #tpu.memory_space<vmem>>) semaphore(%arg13 : memref<!tpu.dma_semaphore, #tpu.memory_space<semaphore_mem>>)
      %dma_wait3A = arith.constant 0 : i32
      %dma_wait3A_42 = arith.constant 0 : i32
      %dma_wait3A_43 = arith.constant 0 : i32
      %dma_wait3A_44 = tpu.memref_slice %arg9[%dma_wait3A, %dma_wait3A_42, %dma_wait3A_43] : memref<2x1024x32xf32, #tpu.memory_space<vmem>> -> memref<1x1024x32xf32, #tpu.memory_space<vmem>>
      %dma_wait3A_45 = tpu.memref_squeeze %dma_wait3A_44 : memref<1x1024x32xf32, #tpu.memory_space<vmem>> -> memref<1024x32xf32, #tpu.memory_space<vmem>>
      %dma_wait3A_46 = arith.constant 0 : i32
      %dma_wait3A_47 = tpu.memref_slice %arg7[%mul3A_28, %dma_wait3A_46] : memref<10x1024xi32, #tpu.memory_space<vmem>> -> memref<1x1024xi32, #tpu.memory_space<vmem>>
      %dma_wait3A_48 = tpu.memref_squeeze %dma_wait3A_47 : memref<1x1024xi32, #tpu.memory_space<vmem>> -> memref<1024xi32, #tpu.memory_space<vmem>>
      %dma_wait3A_49 = arith.constant 0 : i32
      %dma_wait3A_50 = arith.constant 0 : i32
      %dma_wait3A_51 = tpu.memref_slice %arg11[%dma_wait3A_49, %dma_wait3A_50] : memref<10112x32xf32, #tpu.memory_space<vmem_shared>> -> memref<10112x32xf32, #tpu.memory_space<vmem_shared>>
      tpu.wait_indirect_dma semaphore(%arg12 : memref<!tpu.dma_semaphore, #tpu.memory_space<semaphore_mem>>) src(%dma_wait3A_51 : memref<10112x32xf32, #tpu.memory_space<vmem_shared>>) dst(%dma_wait3A_45 : memref<1024x32xf32, #tpu.memory_space<vmem>>)
      %run_scoped3A = arith.constant 0 : i32
      "tpu.region"() ({
        %run_scoped3A_68 = tpu.sem_alloc : memref<!tpu.dma_semaphore, #tpu.memory_space<semaphore_mem>>
        %dma_start3A_69 = arith.constant 0 : i32
        %dma_start3A_70 = arith.constant 0 : i32
        %dma_start3A_71 = tpu.memref_slice %arg9[%run_scoped3A, %dma_start3A_69, %dma_start3A_70] : memref<2x1024x32xf32, #tpu.memory_space<vmem>> -> memref<1x1024x32xf32, #tpu.memory_space<vmem>>
        %dma_start3A_72 = tpu.memref_squeeze %dma_start3A_71 : memref<1x1024x32xf32, #tpu.memory_space<vmem>> -> memref<1024x32xf32, #tpu.memory_space<vmem>>
        %dma_start3A_73 = arith.constant 0 : i32
        %dma_start3A_74 = tpu.memref_slice %arg8[%mul3A_28, %dma_start3A_73] : memref<10x1024xi32, #tpu.memory_space<vmem>> -> memref<1x1024xi32, #tpu.memory_space<vmem>>
        %dma_start3A_75 = tpu.memref_squeeze %dma_start3A_74 : memref<1x1024xi32, #tpu.memory_space<vmem>> -> memref<1024xi32, #tpu.memory_space<vmem>>
        %dma_start3A_76 = arith.constant 0 : i32
        %dma_start3A_77 = arith.constant 0 : i32
        %dma_start3A_78 = tpu.memref_slice %arg10[%dma_start3A_76, %dma_start3A_77] : memref<10112x32xf32, #tpu.memory_space<vmem_shared>> -> memref<10112x32xf32, #tpu.memory_space<vmem_shared>>
        tpu.enqueue_indirect_dma source(%dma_start3A_72 : memref<1024x32xf32, #tpu.memory_space<vmem>>) target(%dma_start3A_78 : memref<10112x32xf32, #tpu.memory_space<vmem_shared>>) offsets(%dma_start3A_75 : memref<1024xi32, #tpu.memory_space<vmem>>) semaphore(%run_scoped3A_68 : memref<!tpu.dma_semaphore, #tpu.memory_space<semaphore_mem>>) {add = true}
        %dma_wait3A_79 = arith.constant 0 : i32
        %dma_wait3A_80 = arith.constant 0 : i32
        %dma_wait3A_81 = tpu.memref_slice %arg9[%run_scoped3A, %dma_wait3A_79, %dma_wait3A_80] : memref<2x1024x32xf32, #tpu.memory_space<vmem>> -> memref<1x1024x32xf32, #tpu.memory_space<vmem>>
        %dma_wait3A_82 = tpu.memref_squeeze %dma_wait3A_81 : memref<1x1024x32xf32, #tpu.memory_space<vmem>> -> memref<1024x32xf32, #tpu.memory_space<vmem>>
        %dma_wait3A_83 = arith.constant 0 : i32
        %dma_wait3A_84 = tpu.memref_slice %arg8[%mul3A_28, %dma_wait3A_83] : memref<10x1024xi32, #tpu.memory_space<vmem>> -> memref<1x1024xi32, #tpu.memory_space<vmem>>
        %dma_wait3A_85 = tpu.memref_squeeze %dma_wait3A_84 : memref<1x1024xi32, #tpu.memory_space<vmem>> -> memref<1024xi32, #tpu.memory_space<vmem>>
        %dma_wait3A_86 = arith.constant 0 : i32
        %dma_wait3A_87 = arith.constant 0 : i32
        %dma_wait3A_88 = tpu.memref_slice %arg10[%dma_wait3A_86, %dma_wait3A_87] : memref<10112x32xf32, #tpu.memory_space<vmem_shared>> -> memref<10112x32xf32, #tpu.memory_space<vmem_shared>>
        tpu.wait_indirect_dma semaphore(%run_scoped3A_68 : memref<!tpu.dma_semaphore, #tpu.memory_space<semaphore_mem>>) src(%dma_wait3A_82 : memref<1024x32xf32, #tpu.memory_space<vmem>>) dst(%dma_wait3A_88 : memref<10112x32xf32, #tpu.memory_space<vmem_shared>>)
        tpu.yield
      }) : () -> ()
      %lt3A = arith.constant 4 : i32
      %lt3A_52 = arith.cmpi slt, %scan3A_26, %lt3A : i32
      %convert_element_type3A_53 = arith.extui %lt3A_52 : i1 to i32
      %cond3A_54 = arith.constant 0 : i32
      %cond3A_55 = arith.cmpi ne, %convert_element_type3A_53, %cond3A_54 : i32
      scf.if %cond3A_55 {
        %add3A_68 = arith.constant 2 : i32
        %add3A_69 = arith.addi %mul3A_28, %add3A_68 : i32
        %dma_start3A_70 = arith.constant 0 : i32
        %dma_start3A_71 = arith.constant 0 : i32
        %dma_start3A_72 = arith.constant 0 : i32
        %dma_start3A_73 = tpu.memref_slice %arg9[%dma_start3A_70, %dma_start3A_71, %dma_start3A_72] : memref<2x1024x32xf32, #tpu.memory_space<vmem>> -> memref<1x1024x32xf32, #tpu.memory_space<vmem>>
        %dma_start3A_74 = tpu.memref_squeeze %dma_start3A_73 : memref<1x1024x32xf32, #tpu.memory_space<vmem>> -> memref<1024x32xf32, #tpu.memory_space<vmem>>
        %dma_start3A_75 = arith.constant 0 : i32
        %dma_start3A_76 = tpu.memref_slice %arg7[%add3A_69, %dma_start3A_75] : memref<10x1024xi32, #tpu.memory_space<vmem>> -> memref<1x1024xi32, #tpu.memory_space<vmem>>
        %dma_start3A_77 = tpu.memref_squeeze %dma_start3A_76 : memref<1x1024xi32, #tpu.memory_space<vmem>> -> memref<1024xi32, #tpu.memory_space<vmem>>
        %dma_start3A_78 = arith.constant 0 : i32
        %dma_start3A_79 = arith.constant 0 : i32
        %dma_start3A_80 = tpu.memref_slice %arg11[%dma_start3A_78, %dma_start3A_79] : memref<10112x32xf32, #tpu.memory_space<vmem_shared>> -> memref<10112x32xf32, #tpu.memory_space<vmem_shared>>
        tpu.enqueue_indirect_dma source(%dma_start3A_80 : memref<10112x32xf32, #tpu.memory_space<vmem_shared>>) target(%dma_start3A_74 : memref<1024x32xf32, #tpu.memory_space<vmem>>) offsets(%dma_start3A_77 : memref<1024xi32, #tpu.memory_space<vmem>>) semaphore(%arg12 : memref<!tpu.dma_semaphore, #tpu.memory_space<semaphore_mem>>)
      } else {
      }
      %dma_wait3A_56 = arith.constant 1 : i32
      %dma_wait3A_57 = arith.constant 0 : i32
      %dma_wait3A_58 = arith.constant 0 : i32
      %dma_wait3A_59 = tpu.memref_slice %arg9[%dma_wait3A_56, %dma_wait3A_57, %dma_wait3A_58] : memref<2x1024x32xf32, #tpu.memory_space<vmem>> -> memref<1x1024x32xf32, #tpu.memory_space<vmem>>
      %dma_wait3A_60 = tpu.memref_squeeze %dma_wait3A_59 : memref<1x1024x32xf32, #tpu.memory_space<vmem>> -> memref<1024x32xf32, #tpu.memory_space<vmem>>
      %dma_wait3A_61 = arith.constant 0 : i32
      %dma_wait3A_62 = tpu.memref_slice %arg7[%add3A_30, %dma_wait3A_61] : memref<10x1024xi32, #tpu.memory_space<vmem>> -> memref<1x1024xi32, #tpu.memory_space<vmem>>
      %dma_wait3A_63 = tpu.memref_squeeze %dma_wait3A_62 : memref<1x1024xi32, #tpu.memory_space<vmem>> -> memref<1024xi32, #tpu.memory_space<vmem>>
      %dma_wait3A_64 = arith.constant 0 : i32
      %dma_wait3A_65 = arith.constant 0 : i32
      %dma_wait3A_66 = tpu.memref_slice %arg11[%dma_wait3A_64, %dma_wait3A_65] : memref<10112x32xf32, #tpu.memory_space<vmem_shared>> -> memref<10112x32xf32, #tpu.memory_space<vmem_shared>>
      tpu.wait_indirect_dma semaphore(%arg13 : memref<!tpu.dma_semaphore, #tpu.memory_space<semaphore_mem>>) src(%dma_wait3A_66 : memref<10112x32xf32, #tpu.memory_space<vmem_shared>>) dst(%dma_wait3A_60 : memref<1024x32xf32, #tpu.memory_space<vmem>>)
      %run_scoped3A_67 = arith.constant 1 : i32
      "tpu.region"() ({
        %run_scoped3A_68 = tpu.sem_alloc : memref<!tpu.dma_semaphore, #tpu.memory_space<semaphore_mem>>
        %dma_start3A_69 = arith.constant 0 : i32
        %dma_start3A_70 = arith.constant 0 : i32
        %dma_start3A_71 = tpu.memref_slice %arg9[%run_scoped3A_67, %dma_start3A_69, %dma_start3A_70] : memref<2x1024x32xf32, #tpu.memory_space<vmem>> -> memref<1x1024x32xf32, #tpu.memory_space<vmem>>
        %dma_start3A_72 = tpu.memref_squeeze %dma_start3A_71 : memref<1x1024x32xf32, #tpu.memory_space<vmem>> -> memref<1024x32xf32, #tpu.memory_space<vmem>>
        %dma_start3A_73 = arith.constant 0 : i32
        %dma_start3A_74 = tpu.memref_slice %arg8[%add3A_30, %dma_start3A_73] : memref<10x1024xi32, #tpu.memory_space<vmem>> -> memref<1x1024xi32, #tpu.memory_space<vmem>>
        %dma_start3A_75 = tpu.memref_squeeze %dma_start3A_74 : memref<1x1024xi32, #tpu.memory_space<vmem>> -> memref<1024xi32, #tpu.memory_space<vmem>>
        %dma_start3A_76 = arith.constant 0 : i32
        %dma_start3A_77 = arith.constant 0 : i32
        %dma_start3A_78 = tpu.memref_slice %arg10[%dma_start3A_76, %dma_start3A_77] : memref<10112x32xf32, #tpu.memory_space<vmem_shared>> -> memref<10112x32xf32, #tpu.memory_space<vmem_shared>>
        tpu.enqueue_indirect_dma source(%dma_start3A_72 : memref<1024x32xf32, #tpu.memory_space<vmem>>) target(%dma_start3A_78 : memref<10112x32xf32, #tpu.memory_space<vmem_shared>>) offsets(%dma_start3A_75 : memref<1024xi32, #tpu.memory_space<vmem>>) semaphore(%run_scoped3A_68 : memref<!tpu.dma_semaphore, #tpu.memory_space<semaphore_mem>>) {add = true}
        %dma_wait3A_79 = arith.constant 0 : i32
        %dma_wait3A_80 = arith.constant 0 : i32
        %dma_wait3A_81 = tpu.memref_slice %arg9[%run_scoped3A_67, %dma_wait3A_79, %dma_wait3A_80] : memref<2x1024x32xf32, #tpu.memory_space<vmem>> -> memref<1x1024x32xf32, #tpu.memory_space<vmem>>
        %dma_wait3A_82 = tpu.memref_squeeze %dma_wait3A_81 : memref<1x1024x32xf32, #tpu.memory_space<vmem>> -> memref<1024x32xf32, #tpu.memory_space<vmem>>
        %dma_wait3A_83 = arith.constant 0 : i32
        %dma_wait3A_84 = tpu.memref_slice %arg8[%add3A_30, %dma_wait3A_83] : memref<10x1024xi32, #tpu.memory_space<vmem>> -> memref<1x1024xi32, #tpu.memory_space<vmem>>
        %dma_wait3A_85 = tpu.memref_squeeze %dma_wait3A_84 : memref<1x1024xi32, #tpu.memory_space<vmem>> -> memref<1024xi32, #tpu.memory_space<vmem>>
        %dma_wait3A_86 = arith.constant 0 : i32
        %dma_wait3A_87 = arith.constant 0 : i32
        %dma_wait3A_88 = tpu.memref_slice %arg10[%dma_wait3A_86, %dma_wait3A_87] : memref<10112x32xf32, #tpu.memory_space<vmem_shared>> -> memref<10112x32xf32, #tpu.memory_space<vmem_shared>>
        tpu.wait_indirect_dma semaphore(%run_scoped3A_68 : memref<!tpu.dma_semaphore, #tpu.memory_space<semaphore_mem>>) src(%dma_wait3A_82 : memref<1024x32xf32, #tpu.memory_space<vmem>>) dst(%dma_wait3A_88 : memref<10112x32xf32, #tpu.memory_space<vmem_shared>>)
        tpu.yield
      }) : () -> ()
    }
    %scan3A_24 = arith.constant 5 : i32
    %barrier3A_25 = arith.constant 0 : index
    tpu.barrier barrier_id(%barrier3A_25)
    "tpu.region"() ({
      %run_scoped3A = tpu.sem_alloc : memref<!tpu.dma_semaphore, #tpu.memory_space<semaphore_mem>>
      %dma_start3A_26 = arith.constant 0 : i32
      %dma_start3A_27 = tpu.memref_slice %arg6[%arg0, %mul3A_2, %dma_start3A_26] : memref<2x10112x32xf32, #tpu.memory_space<hbm>> -> memref<1x632x32xf32, #tpu.memory_space<hbm>>
      %dma_start3A_28 = tpu.memref_squeeze %dma_start3A_27 : memref<1x632x32xf32, #tpu.memory_space<hbm>> -> memref<632x32xf32, #tpu.memory_space<hbm>>
      %dma_start3A_29 = arith.constant 0 : i32
      %dma_start3A_30 = tpu.memref_slice %arg10[%mul3A_2, %dma_start3A_29] : memref<10112x32xf32, #tpu.memory_space<vmem_shared>> -> memref<632x32xf32, #tpu.memory_space<vmem_shared>>
      tpu.enqueue_dma source(%dma_start3A_30 : memref<632x32xf32, #tpu.memory_space<vmem_shared>>) target(%dma_start3A_28 : memref<632x32xf32, #tpu.memory_space<hbm>>) target_semaphore(%run_scoped3A : memref<!tpu.dma_semaphore, #tpu.memory_space<semaphore_mem>>)
      %dma_wait3A = arith.constant 0 : i32
      %dma_wait3A_31 = tpu.memref_slice %arg6[%arg0, %mul3A_2, %dma_wait3A] : memref<2x10112x32xf32, #tpu.memory_space<hbm>> -> memref<1x632x32xf32, #tpu.memory_space<hbm>>
      %dma_wait3A_32 = tpu.memref_squeeze %dma_wait3A_31 : memref<1x632x32xf32, #tpu.memory_space<hbm>> -> memref<632x32xf32, #tpu.memory_space<hbm>>
      %dma_wait3A_33 = arith.constant 0 : i32
      %dma_wait3A_34 = tpu.memref_slice %arg10[%mul3A_2, %dma_wait3A_33] : memref<10112x32xf32, #tpu.memory_space<vmem_shared>> -> memref<632x32xf32, #tpu.memory_space<vmem_shared>>
      tpu.wait_dma2 semaphore(%run_scoped3A : memref<!tpu.dma_semaphore, #tpu.memory_space<semaphore_mem>>) src(%dma_wait3A_34 : memref<632x32xf32, #tpu.memory_space<vmem_shared>>) dst(%dma_wait3A_32 : memref<632x32xf32, #tpu.memory_space<hbm>>)
      tpu.yield
    }) : () -> ()
    return
  }
}

module attributes {stable_mosaic.version = 14 : i64} {
  func.func @_tc1_body(%arg0: memref<10000x128xf32, #tpu.memory_space<vmem>>, %arg1: memref<10112x2xf32, #tpu.memory_space<vmem>>, %arg2: memref<128x32xf32, #tpu.memory_space<vmem>>, %arg3: memref<10112x32xf32, #tpu.memory_space<vmem>>) attributes {dimension_semantics = [], scalar_prefetch = 0 : i64, scratch_operands = 0 : i64, tpu.core_type = #tpu.core_type<tc>} {
    %get3A = arith.constant 0 : index
    %get3A_0 = arith.constant 0 : index
    %get3A_1 = vector.load %arg1[%get3A, %get3A_0] : memref<10112x2xf32, #tpu.memory_space<vmem>>, vector<10112x1xf32>
    %get3A_2 = arith.constant 0 : index
    %get3A_3 = arith.constant 1 : index
    %get3A_4 = vector.load %arg1[%get3A_2, %get3A_3] : memref<10112x2xf32, #tpu.memory_space<vmem>>, vector<10112x1xf32>
    %add3A = arith.addf %get3A_1, %get3A_4 : vector<10112x1xf32>
    %add3A_5 = arith.constant 1.000000e+00 : f32
    %add3A_6 = vector.broadcast %add3A_5 : f32 to vector<10112x1xf32>
    %add3A_7 = arith.addf %add3A, %add3A_6 : vector<10112x1xf32>
    %rsqrt3A = math.rsqrt %add3A_7 : vector<10112x1xf32>
    %slice3A = vector.extract_strided_slice %rsqrt3A {offsets = [0, 0], sizes = [10000, 1], strides = [1, 1]} : vector<10112x1xf32> to vector<10000x1xf32>
    %get3A_8 = arith.constant 0 : index
    %get3A_9 = arith.constant 0 : index
    %get3A_10 = vector.load %arg0[%get3A_8, %get3A_9] : memref<10000x128xf32, #tpu.memory_space<vmem>>, vector<10000x128xf32>
    %get3A_11 = arith.constant 0 : index
    %get3A_12 = arith.constant 0 : index
    %get3A_13 = vector.load %arg2[%get3A_11, %get3A_12] : memref<128x32xf32, #tpu.memory_space<vmem>>, vector<128x32xf32>
    %dot_general3A = arith.constant dense<0.000000e+00> : vector<10000x32xf32>
    %dot_general3A_14 = tpu.matmul %get3A_10, %get3A_13, %dot_general3A {dimension_numbers = #tpu.dot_dimension_numbers<[1], [0], [0], [1], [0, 0, 1, 1], [], []>, transpose_lhs_hint = false} : vector<10000x128xf32>, vector<128x32xf32>, vector<10000x32xf32> -> vector<10000x32xf32>
    %mul3A = vector.broadcast %slice3A : vector<10000x1xf32> to vector<10000x32xf32>
    %mul3A_15 = arith.mulf %dot_general3A_14, %mul3A : vector<10000x32xf32>
    %swap3A = arith.constant 0 : index
    %swap3A_16 = arith.constant 0 : index
    %swap3A_17 = vector.load %arg3[%swap3A, %swap3A_16] : memref<10112x32xf32, #tpu.memory_space<vmem>>, vector<10000x32xf32>
    tpu.vector_store %arg3[%swap3A, %swap3A_16], %mul3A_15 {strides = array<i32>} : memref<10112x32xf32, #tpu.memory_space<vmem>>, vector<10000x32xf32>,
    return
  }
}

module attributes {stable_mosaic.version = 14 : i64} {
  func.func @_tc2_body(%arg0: memref<2x10112x32xf32, #tpu.memory_space<vmem>>, %arg1: memref<10112x2xf32, #tpu.memory_space<vmem>>, %arg2: memref<1x32xf32, #tpu.memory_space<vmem>>, %arg3: memref<32x32xf32, #tpu.memory_space<vmem>>, %arg4: memref<10112x32xf32, #tpu.memory_space<vmem>>) attributes {dimension_semantics = [], scalar_prefetch = 0 : i64, scratch_operands = 0 : i64, tpu.core_type = #tpu.core_type<tc>} {
    %get3A = arith.constant 0 : index
    %get3A_0 = arith.constant 0 : index
    %get3A_1 = vector.load %arg1[%get3A, %get3A_0] : memref<10112x2xf32, #tpu.memory_space<vmem>>, vector<10112x1xf32>
    %get3A_2 = arith.constant 0 : index
    %get3A_3 = arith.constant 1 : index
    %get3A_4 = vector.load %arg1[%get3A_2, %get3A_3] : memref<10112x2xf32, #tpu.memory_space<vmem>>, vector<10112x1xf32>
    %add3A = arith.addf %get3A_1, %get3A_4 : vector<10112x1xf32>
    %add3A_5 = arith.constant 1.000000e+00 : f32
    %add3A_6 = vector.broadcast %add3A_5 : f32 to vector<10112x1xf32>
    %add3A_7 = arith.addf %add3A, %add3A_6 : vector<10112x1xf32>
    %rsqrt3A = math.rsqrt %add3A_7 : vector<10112x1xf32>
    %slice3A = vector.extract_strided_slice %rsqrt3A {offsets = [0, 0], sizes = [10000, 1], strides = [1, 1]} : vector<10112x1xf32> to vector<10000x1xf32>
    %get3A_8 = arith.constant 0 : index
    %get3A_9 = arith.constant 0 : index
    %get3A_10 = arith.constant 0 : index
    %get3A_11 = vector.load %arg0[%get3A_8, %get3A_9, %get3A_10] : memref<2x10112x32xf32, #tpu.memory_space<vmem>>, vector<1x10000x32xf32>
    %get3A_12 = vector.shape_cast %get3A_11 : vector<1x10000x32xf32> to vector<10000x32xf32>
    %get3A_13 = arith.constant 1 : index
    %get3A_14 = arith.constant 0 : index
    %get3A_15 = arith.constant 0 : index
    %get3A_16 = vector.load %arg0[%get3A_13, %get3A_14, %get3A_15] : memref<2x10112x32xf32, #tpu.memory_space<vmem>>, vector<1x10000x32xf32>
    %get3A_17 = vector.shape_cast %get3A_16 : vector<1x10000x32xf32> to vector<10000x32xf32>
    %add3A_18 = arith.addf %get3A_12, %get3A_17 : vector<10000x32xf32>
    %mul3A = vector.broadcast %slice3A : vector<10000x1xf32> to vector<10000x32xf32>
    %mul3A_19 = arith.mulf %add3A_18, %mul3A : vector<10000x32xf32>
    %get3A_20 = arith.constant 0 : index
    %get3A_21 = arith.constant 0 : index
    %get3A_22 = vector.load %arg2[%get3A_20, %get3A_21] : memref<1x32xf32, #tpu.memory_space<vmem>>, vector<1x32xf32>
    %add3A_23 = vector.broadcast %get3A_22 : vector<1x32xf32> to vector<10000x32xf32>
    %add3A_24 = arith.addf %mul3A_19, %add3A_23 : vector<10000x32xf32>
    %max3A = arith.constant 0.000000e+00 : f32
    %max3A_25 = vector.broadcast %max3A : f32 to vector<10000x32xf32>
    %max3A_26 = arith.maximumf %add3A_24, %max3A_25 : vector<10000x32xf32>
    %get3A_27 = arith.constant 0 : index
    %get3A_28 = arith.constant 0 : index
    %get3A_29 = vector.load %arg3[%get3A_27, %get3A_28] : memref<32x32xf32, #tpu.memory_space<vmem>>, vector<32x32xf32>
    %dot_general3A = arith.constant dense<0.000000e+00> : vector<10000x32xf32>
    %dot_general3A_30 = tpu.matmul %max3A_26, %get3A_29, %dot_general3A {dimension_numbers = #tpu.dot_dimension_numbers<[1], [0], [0], [1], [0, 0, 1, 1], [], []>, transpose_lhs_hint = false} : vector<10000x32xf32>, vector<32x32xf32>, vector<10000x32xf32> -> vector<10000x32xf32>
    %mul3A_31 = vector.broadcast %slice3A : vector<10000x1xf32> to vector<10000x32xf32>
    %mul3A_32 = arith.mulf %dot_general3A_30, %mul3A_31 : vector<10000x32xf32>
    %swap3A = arith.constant 0 : index
    %swap3A_33 = arith.constant 0 : index
    %swap3A_34 = vector.load %arg4[%swap3A, %swap3A_33] : memref<10112x32xf32, #tpu.memory_space<vmem>>, vector<10000x32xf32>
    tpu.vector_store %arg4[%swap3A, %swap3A_33], %mul3A_32 {strides = array<i32>} : memref<10112x32xf32, #tpu.memory_space<vmem>>, vector<10000x32xf32>,
    return
  }
}

module attributes {stable_mosaic.version = 14 : i64} {
  func.func @_tc3_body(%arg0: memref<2x10112x32xf32, #tpu.memory_space<vmem>>, %arg1: memref<10112x2xf32, #tpu.memory_space<vmem>>, %arg2: memref<1x32xf32, #tpu.memory_space<vmem>>, %arg3: memref<10112x32xf32, #tpu.memory_space<vmem>>) attributes {dimension_semantics = [], scalar_prefetch = 0 : i64, scratch_operands = 0 : i64, tpu.core_type = #tpu.core_type<tc>} {
    %get3A = arith.constant 0 : index
    %get3A_0 = arith.constant 0 : index
    %get3A_1 = vector.load %arg1[%get3A, %get3A_0] : memref<10112x2xf32, #tpu.memory_space<vmem>>, vector<10112x1xf32>
    %get3A_2 = arith.constant 0 : index
    %get3A_3 = arith.constant 1 : index
    %get3A_4 = vector.load %arg1[%get3A_2, %get3A_3] : memref<10112x2xf32, #tpu.memory_space<vmem>>, vector<10112x1xf32>
    %add3A = arith.addf %get3A_1, %get3A_4 : vector<10112x1xf32>
    %add3A_5 = arith.constant 1.000000e+00 : f32
    %add3A_6 = vector.broadcast %add3A_5 : f32 to vector<10112x1xf32>
    %add3A_7 = arith.addf %add3A, %add3A_6 : vector<10112x1xf32>
    %rsqrt3A = math.rsqrt %add3A_7 : vector<10112x1xf32>
    %slice3A = vector.extract_strided_slice %rsqrt3A {offsets = [0, 0], sizes = [10000, 1], strides = [1, 1]} : vector<10112x1xf32> to vector<10000x1xf32>
    %get3A_8 = arith.constant 0 : index
    %get3A_9 = arith.constant 0 : index
    %get3A_10 = arith.constant 0 : index
    %get3A_11 = vector.load %arg0[%get3A_8, %get3A_9, %get3A_10] : memref<2x10112x32xf32, #tpu.memory_space<vmem>>, vector<1x10000x32xf32>
    %get3A_12 = vector.shape_cast %get3A_11 : vector<1x10000x32xf32> to vector<10000x32xf32>
    %get3A_13 = arith.constant 1 : index
    %get3A_14 = arith.constant 0 : index
    %get3A_15 = arith.constant 0 : index
    %get3A_16 = vector.load %arg0[%get3A_13, %get3A_14, %get3A_15] : memref<2x10112x32xf32, #tpu.memory_space<vmem>>, vector<1x10000x32xf32>
    %get3A_17 = vector.shape_cast %get3A_16 : vector<1x10000x32xf32> to vector<10000x32xf32>
    %add3A_18 = arith.addf %get3A_12, %get3A_17 : vector<10000x32xf32>
    %mul3A = vector.broadcast %slice3A : vector<10000x1xf32> to vector<10000x32xf32>
    %mul3A_19 = arith.mulf %add3A_18, %mul3A : vector<10000x32xf32>
    %get3A_20 = arith.constant 0 : index
    %get3A_21 = arith.constant 0 : index
    %get3A_22 = vector.load %arg2[%get3A_20, %get3A_21] : memref<1x32xf32, #tpu.memory_space<vmem>>, vector<1x32xf32>
    %add3A_23 = vector.broadcast %get3A_22 : vector<1x32xf32> to vector<10000x32xf32>
    %add3A_24 = arith.addf %mul3A_19, %add3A_23 : vector<10000x32xf32>
    %swap3A = arith.constant 0 : index
    %swap3A_25 = arith.constant 0 : index
    %swap3A_26 = vector.load %arg3[%swap3A, %swap3A_25] : memref<10112x32xf32, #tpu.memory_space<vmem>>, vector<10000x32xf32>
    tpu.vector_store %arg3[%swap3A, %swap3A_25], %add3A_24 {strides = array<i32>} : memref<10112x32xf32, #tpu.memory_space<vmem>>, vector<10000x32xf32>,
    return
  }
}

</mosaic_0001>

<sc_bundles>
// kernel: kernel.11.cloned.1.call-start
scs
__scs_entry_jumppad:
0x0: {  	(pc) =	sbr.rel $0x88, $3  }
0x1: {  	(tag) =	ssettag $0x0;
	lr =	simm.s32 $0x1  }
0x2: {  	[smem:$0x3F99] =	sst lr;
	_ =	strace $0xD0000000  }
0x3: {  	_ = 	snop  }
0x4: {  	_ = 	snop  }
0x5: {  	_ = 	snop  }
0x6: {  	_ = 	snop  }
0x7: {  	_ = 	snop  }
__scs_overlays_trampoline_lowered:
0x8: {  	[smem:$0x3FA8] =	sst s0  }
0x9: {  	[smem:$0x3FA9] =	sst s1  }
0xa: {  	[smem:$0x3FAA] =	sst s2  }
0xb: {  	[smem:$0x3FAB] =	sst s3  }
0xc: {  	[smem:$0x3FAC] =	sst s4  }
0xd: {  	[smem:$0x3FAD] =	sst s5  }
0xe: {  	[smem:$0x3FAE] =	sst s6  }
0xf: {  	[smem:$0x3FAF] =	sst s7  }
0x10: {  	[smem:$0x3FB0] =	sst s8  }
0x11: {  	[smem:$0x3FB1] =	sst s9;
	s0 =	simm.s32 @!p0 $0x0  }
0x12: {  	s1 =	sld [smem:$0x3F97];
	s0 =	simm.s32 @p0 $0x1  }
0x13: {  	[smem:$0x3FB2] =	sst s0;
	s0 =	simm.s32 @!p1 $0x0  }
0x14: {  	s2 =	sld [smem:$0x3F96];
	s0 =	simm.s32 @p1 $0x1  }
0x15: {  	[smem:$0x3FB3] =	sst s0;
	s0 =	simm.s32 @!p2 $0x0  }
0x16: {  	s3 =	sld [smem:$0x3FDB];
	s0 =	simm.s32 @p2 $0x1  }
0x17: {  	s4 =	simm.s32 $0x1BF5;
	[smem:$0x3FB5] =	sst s0  }
0x18: {  	s0 =	sld [smem:$0x3F98];
	_ =	swait.ge [sflag:s4], $0x0  }
0x19: {  	s7 =	sld [smem:$0x3F99]  }
0x1a: {  	s8 =	sadd.s32 $0xFFFFE003, lr  }
0x1b: {  	s9 =	sadd.s32 $0xFFFFFEF7, lr;
	s5 =	simm.s32 $0xFFFFFFFF;
	p2 =	slt.u32 s8, $0xFFFFF086  }
0x1c: {  	p1 =	slt.u32 s9, $0xF7A;
	s5 =	simm.s32 @!p2 $0x0  }
0x1d: {  	s5 =	simm.s32 @p1 $0x1;
	p0 =	seq.s32 s7, s2  }
0x1e: {  	s7 =	smul.u32 @!p0 $0xF7A, s2;
	p2 =	seq.s32 @!p0 s5, $0x0  }
0x1f: {  	s9 =	smul.u32 $0xF7A, s1;
	s8 =	simm.s32 @!p0 $0x1BF5;
	p2 =	por !p2, p0  }
0x20: {  	[sflag:s8] =	ssyncset.s32 @!p0 $0xFFFFF086;
	s6 =	sadd.s32 @!p0 s3, s7;
	s7 =	simm.s32 @!p0 $0x108  }
0x21: {  	s3 =	sadd.s32 s3, s9;
	s6 =	sadd.s32 @!p0 $0x88, s6;
	s7 =	simm.s32 @p2 $0x1082  }
0x22: {  	[simem:s7], [sflag:s8] =	dma.local @!p0 [hbm:s6], $0xF7A  }
0x23: {  	s9 =	sor.u32 $0xD0000000, s2;
	s6 =	simm.s32 $0x108;
	_ =	swait.ge @!p0 [sflag:s8], $0x0  }
0x24: {  	s3 =	sadd.s32 $0x88, s3;
	s6 =	simm.s32 @!p1 $0x1082;
	[sflag:s4] =	ssyncset.s32 $0xFFFFF086  }
0x25: {  	[simem:s6], [sflag:s4] =	dma.local [hbm:s3], $0xF7A  }
0x26: {  	[smem:$0x3F99] =	sst s1;
	(tag) =	ssettag s2;
	_ =	strace s9  }
0x27: {  	s1 =	sld [smem:$0x3FA9]  }
0x28: {  	s2 =	sld [smem:$0x3FAA]  }
0x29: {  	s4 =	sld [smem:$0x3FAC]  }
0x2a: {  	p0 =	seq.s32 s5, $0x0;
	s5 =	sld [smem:$0x3FAD]  }
0x2b: {  	s6 =	sld [smem:$0x3FAE]  }
0x2c: {  	s7 =	sld [smem:$0x3FAF]  }
0x2d: {  	s3 =	simm.s32 $0x108;
	s8 =	sld [smem:$0x3FB0]  }
0x2e: {  	s3 =	simm.s32 @!p0 $0x1082;
	s9 =	sld [smem:$0x3FB1]  }
0x2f: {  	lr =	sadd.s32 s0, s3;
	s0 =	sld [smem:$0x3FA8]  }
0x30: {  	s3 =	sld [smem:$0x3FAB]  }
0x31: {  	[smem:$0x3FB4] =	sst s10  }
0x32: {  	s10 =	sld [smem:$0x3FB2];
	_ =	sdelay $0x3  }
0x33: {  	p0 =	seq.s32 s10, $0x1;
	s10 =	sld [smem:$0x3FB4];
	_ =	sdelay $0x3  }
0x34: {  	[smem:$0x3FB4] =	sst s10  }
0x35: {  	s10 =	sld [smem:$0x3FB3];
	_ =	sdelay $0x3  }
0x36: {  	p1 =	seq.s32 s10, $0x1;
	s10 =	sld [smem:$0x3FB4];
	_ =	sdelay $0x3  }
0x37: {  	[smem:$0x3FB4] =	sst s10  }
0x38: {  	s10 =	sld [smem:$0x3FB5]  }
0x39: {  	_ = 	snop;
	(pc) =	sbr.ind lr, $3  }
0x3a: {  	_ = 	snop  }
0x3b: {  	_ = 	snop  }
0x3c: {  	p2 =	seq.s32 s10, $0x1;
	s10 =	sld [smem:$0x3FB4]  }
0x3d: {  	_ =	shalt  }
0x3e: {  	_ =	shalt  }
0x3f: {  	_ =	shalt  }
0x40: {  	_ =	shalt  }
0x41: {  	_ =	shalt  }
0x42: {  	_ =	shalt  }
0x43: {  	_ =	shalt  }
0x44: {  	_ =	shalt  }
0x45: {  	_ =	shalt  }
0x46: {  	_ =	shalt  }
0x47: {  	_ =	shalt  }
0x48: {  	_ =	shalt  }
0x49: {  	_ =	shalt  }
0x4a: {  	_ =	shalt  }
0x4b: {  	_ =	shalt  }
0x4c: {  	_ =	shalt  }
0x4d: {  	_ =	shalt  }
0x4e: {  	_ =	shalt  }
0x4f: {  	_ =	shalt  }
0x50: {  	_ =	shalt  }
0x51: {  	_ =	shalt  }
0x52: {  	_ =	shalt  }
0x53: {  	_ =	shalt  }
0x54: {  	_ =	shalt  }
0x55: {  	_ =	shalt  }
0x56: {  	_ =	shalt  }
0x57: {  	_ =	shalt  }
0x58: {  	_ =	shalt  }
0x59: {  	_ =	shalt  }
0x5a: {  	_ =	shalt  }
0x5b: {  	_ =	shalt  }
0x5c: {  	_ =	shalt  }
0x5d: {  	_ =	shalt  }
0x5e: {  	_ =	shalt  }
0x5f: {  	_ =	shalt  }
0x60: {  	_ =	shalt  }
0x61: {  	_ =	shalt  }
0x62: {  	_ =	shalt  }
0x63: {  	_ =	shalt  }
0x64: {  	_ =	shalt  }
0x65: {  	_ =	shalt  }
0x66: {  	_ =	shalt  }
0x67: {  	_ =	shalt  }
0x68: {  	_ =	shalt  }
0x69: {  	_ =	shalt  }
0x6a: {  	_ =	shalt  }
0x6b: {  	_ =	shalt  }
0x6c: {  	_ =	shalt  }
0x6d: {  	_ =	shalt  }
0x6e: {  	_ =	shalt  }
0x6f: {  	_ =	shalt  }
0x70: {  	_ =	shalt  }
0x71: {  	_ =	shalt  }
0x72: {  	_ =	shalt  }
0x73: {  	_ =	shalt  }
0x74: {  	_ =	shalt  }
0x75: {  	_ =	shalt  }
0x76: {  	_ =	shalt  }
0x77: {  	_ =	shalt  }
0x78: {  	_ =	shalt  }
0x79: {  	_ =	shalt  }
0x7a: {  	_ =	shalt  }
0x7b: {  	_ =	shalt  }
0x7c: {  	_ =	shalt  }
0x7d: {  	_ =	shalt  }
0x7e: {  	_ =	shalt  }
0x7f: {  	_ =	shalt  }
0x80: {  	_ =	shalt  }
0x81: {  	_ =	shalt  }
0x82: {  	_ =	shalt  }
0x83: {  	_ =	shalt  }
0x84: {  	_ =	shalt  }
0x85: {  	_ =	shalt  }
0x86: {  	_ =	shalt  }
0x87: {  	_ =	shalt  }
.Lfunc_end0:
.L_simem_size_0:
called_computation.1_lowered:
.L_overlay_start_0:
0x88: {  	s2 =	sld [smem:$0x3FD9]  }
0x89: {  	s3 =	sld [smem:$0x3FFE];
	_ =	sdelay $0x1  }
0x8a: {  	s1 =	srdreg.scid  }
0x8b: {  	s0 =	sand.u32 $0x1, s1  }
0x8c: {  	s14 =	sshll.u32 s0, $0xA;
	s2 =	sadd.s32 s3, s2  }
0x8d: {  	s2 =	sadd.s32 s2, s14  }
0x8e: {  	[smem:$0x3FC0] =	sst s2  }
0x8f: {  	_ = 	snop  }
0x90: {  	s2 =	sld [smem:$0x3FD0];
	_ =	sdelay $0x2  }
0x91: {  	s15 =	simm.s32 $0xA;
	s4 =	simm.s32 $0x10  }
0x92: {  	[smem:s4], [sflag:s15] =	dma.local [hbm:s2], $0x1  }
0x93: {  	_ =	swait.eq [sflag:s15], $0x1  }
0x94: {  	[sflag:s15] =	ssyncset.done $0x0  }
0x95: {  	[sflag:s15] =	ssyncadd.s32 $0xFFFFFFFF  }
0x96: {  	s16 =	sld [smem:$0x11];
	(tm) =	ssettm $0x1  }
0x97: {  	s17 =	sld [smem:$0x3FFB];
	_ =	sdelay $0x3  }
0x98: {  	_ =	strace s17  }
0x99: {  	s3 =	sld [smem:$0x3FFC];
	_ =	sdelay $0x3  }
0x9a: {  	_ =	strace s3  }
0x9b: {  	s3 =	sld [smem:$0x3FFD];
	_ =	sdelay $0x3  }
0x9c: {  	_ =	strace s3  }
0x9d: {  	_ =	strace $0x8FFFFFFF  }
0x9e: {  	s18 =	sld [smem:$0x3FDB];
	_ =	sdelay $0x1  }
0x9f: {  	s19 =	simm.s32 $_scs_section_size  }
0xa0: {  	s5 =	simm.s32 $_size__tile_overlayer_lowered;
	s6 =	simm.s32 $_tile_overlayer_lowered  }
0xa1: {  	s22 =	simm.s32 $0x1BFF;
	s21 =	sshll.u32 s6, $0x1;
	s3 =	sadd.s32 s19, s18  }
0xa2: {  	s7 =	simm.s32 $0x0;
	s20 =	sshll.u32 s5, $0x1;
	s5 =	sadd.s32 s21, s3  }
0xa3: {  	[timem:s7], [sflag:s22] =	dma.local [hbm:s5], s20  }
0xa4: {  	_ =	swait.ge [sflag:s22], s20  }
0xa5: {  	s4 =	ssub.s32 $0x0, s20;
	[sflag:s22] =	ssyncset.done $0x0  }
0xa6: {  	[sflag:s22] =	ssyncadd.s32 s4;
	_ =	sdelay $0x1  }
0xa7: {  	s23 =	simm.s32 $0x1B8B  }
0xa8: {  	_ =	swait.ge [sflag:s23], $0x1  }
0xa9: {  	[sflag:s23] =	ssyncset.done $0x0  }
0xaa: {  	s25 =	simm.s32 $0x1B8E;
	s24 =	sld [smem:$0x3FFE];
	[sflag:s23] =	ssyncadd.s32 $0xFFFFFFFF  }
0xab: {  	s26 =	simm.s32 $execute0_lowered;
	[smem:$0x3FD2] =	sst s25  }
0xac: {  	s5 =	sshll.u32 s26, $0x1;
	_ =	strace $0x80000049;
	[dreg:$0x1] =	wrdreg $0xFFFFFFFF  }
0xad: {  	s28 =	simm.s32 $_size_execute0_lowered;
	s3 =	sadd.s32 s3, s5;
	[dreg:$0x0] =	wrdreg $0x0  }
0xae: {  	s5 =	sshll.u32 s28, $0x1;
	[dreg:$0x2] =	wrdreg s3  }
0xaf: {  	[dreg:$0x3] =	wrdreg s5  }
0xb0: {  	[dreg:$0x4] =	wrdreg $0xC0  }
0xb1: {  	_ =	task [dreg:s7], $0x5FFFF  }
0xb2: {  	[dreg:$0x1] =	wrdreg $0xFFFFFFFF  }
0xb3: {  	[dreg:$0x0] =	wrdreg $0x60  }
0xb4: {  	[dreg:$0x2] =	wrdreg s24  }
0xb5: {  	[dreg:$0x3] =	wrdreg s16  }
0xb6: {  	[dreg:$0x4] =	wrdreg $0x150000  }
0xb7: {  	[dreg:$0x5] =	wrdreg $0x19F000  }
0xb8: {  	[dreg:$0x6] =	wrdreg $0x9  }
0xb9: {  	_ =	task.clear_ibuf [dreg:s7], $0x7FFFF;
	_ =	strace $0x90000049  }
0xba: {  	s29 =	simm.s32 $0x9;
	_ =	strace $0x8000004B  }
0xbb: {  	_ =	swait.ge [sflag:s29], $0x1  }
0xbc: {  	[sflag:s29] =	ssyncadd.s32 $0xFFFFFFFF  }
0xbd: {  	_ =	strace $0x9000004B  }
0xbe: {  	_ =	sfence  }
0xbf: {  	s30 =	sld [smem:$0x0];
	_ =	sdelay $0x2  }
0xc0: {  	s31 =	sshll.u32 s1, $0xD;
	s1 =	sshrl.u32 s1, $0x2  }
0xc1: {  	s3 =	sand.u32 $0x4000, s31;
	s1 =	sadd.s32 s1, s30  }
0xc2: {  	s0 =	sor.u32 s3, s0;
	s1 =	sshll.u32 s1, $0x11  }
0xc3: {  	s0 =	sor.u32 s1, s0  }
0xc4: {  	s0 =	sadd.s32 $0x8F2B, s0  }
0xc5: {  	[sflag:s0] =	ssyncadd.remote.s32 $0x1  }
0xc6: {  	_ =	sfence.sel $0xFFFF  }
0xc7: {  	[dreg:$0x0] =	wrdreg $0xFFFFFFFF;
	(pc) =	sbr.abs _section_cstart, $3  }
0xc8: {  	[dreg:$0x1] =	wrdreg $0xFFFFFFFF  }
0xc9: {  	_ =	task.clear_ibuf [dreg:s7], $0x2FFFF;
	_ =	strace $0x9FFFFFFF  }
0xca: {  	(tm) =	ssettm $0x7FFFFFFF  }
0xcb: {  	_ =	shalt  }
tec
execute0_lowered:
.L_overlay_start_1:
0x0: {  	(tag) =	ssettag $0x1  }
0x1: {  	s5 =	rddreg [dreg:$0x0]  }
0x2: {  	s0 =	rddreg [dreg:$0x1]  }
0x3: {  	s2 =	rddreg [dreg:$0x2]  }
0x4: {  	s1 =	srdreg.scid;
	s3 =	rddreg [dreg:$0x3];
	s4 =	simm.s32 $0x0  }
0x5: {  	s21 =	simm.s32 $0x800;
	[dreg:$0x5] =	wrdreg s0;
	s0 =	stileid.u32  }
0x6: {  	s22 =	simm.s32 $0x2C00;
	s30 =	sand.u32 $0x1, s1;
	s6 =	smul.u32 $0x4F00, s0  }
0x7: {  	[smem:$0x7FF] =	sst s4;
	s1 =	sshll.u32 s30, $0x4;
	s8 =	smul.u32 $0x4F000, s30  }
0x8: {  	s9 =	smul.u32 $0x13C00, s0;
	_ =	strace $0x8000004A;
	s7 =	sor.u32 s0, s1  }
0x9: {  	p0 =	sne.s32 s30, $0x0;
	[dreg:$0xe] =	wrdreg s21;
	s7 =	smul.u32 $0x500, s7  }
0xa: {  	[dreg:$0xf] =	wrdreg s22;
	s8 =	sadd.s32 s6, s8;
	s19 =	sadd.s32 s6, s3  }
0xb: {  	s9 =	sshrl.u32 s9, $0x2;
	s20 =	sshrl.u32 s19, $0x3;
	s7 =	sadd.s32 s7, s5  }
0xc: {  	s8 =	sshrl.u32 s8, $0x3;
	[dreg:$0xd] =	wrdreg s20;
	s10 =	sadd.s32 $0xBA00, s7  }
0xd: {  	s8 =	sadd.s32 s8, s5;
	s7 =	sadd.s32 $0x1A00, s7;
	[dreg:$0x6] =	wrdreg s10  }
0xe: {  	s18 =	sadd.s32 $0x1F800, s8;
	s8 =	sshll.u32 @p0 s0, $0x6;
	[dreg:$0x7] =	wrdreg s7  }
0xf: {  	s9 =	sadd.s32 s9, s2;
	[dreg:$0x8] =	wrdreg s18;
	s7 =	sor.u32 @p0 $0x1C03, s8  }
0x10: {  	[dreg:$0x9] =	wrdreg s7;
	s7 =	sshrl.u32 @p0 s9, $0x3  }
0x11: {  	s8 =	sshll.u32 @!p0 s0, $0x6;
	[dreg:$0xa] =	wrdreg s7  }
0x12: {  	s7 =	sor.u32 @!p0 $0x1C03, s8;
	s10 =	rddreg [dreg:$0x9]  }
0x13: {  	s31 =	sadd.s32 s6, s2;
	[dreg:$0xb] =	wrdreg s7  }
0x14: {  	s7 =	sshrl.u32 @!p0 s31, $0x3;
	s8 =	rddreg [dreg:$0xa]  }
0x15: {  	[dreg:$0xc] =	wrdreg s7  }
0x16: {  	s6 =	sshrl.u32 s6, $0x3;
	s7 =	rddreg [dreg:$0x5]  }
0x17: {  	[spmem:s8], [sflag:s10] =	dma.local @p0 [hbm:s7], $0x9E0  }
0x18: {  	s5 =	sadd.s32 s6, s5;
	s7 =	rddreg [dreg:$0xc]  }
0x19: {  	s6 =	sadd.s32 $0x15A00, s5;
	s5 =	simm.s32 $0x3;
	s8 =	rddreg [dreg:$0xb]  }
0x1a: {  	[spmem:s7], [sflag:s8] =	dma.local @!p0 [hbm:s6], $0x9E0  }
0x1b: {  	_ =	swait.ge [sflag:s5], $0x9E0  }
0x1c: {  	s24 =	sshll.u32 s0, $0x6;
	[sflag:s5] =	ssyncset.done $0x0  }
0x1d: {  	s7 =	sor.u32 $0x1C03, s24;
	s23 =	rddreg [dreg:$0xd];
	[sflag:s5] =	ssyncadd.s32 $0xFFFFF620  }
0x1e: {  	[spmem:s23], [sflag:s7] =	dma.local [hbm:s6], $0x9E0  }
0x1f: {  	_ =	swait.ge [sflag:s5], $0x9E0  }
0x20: {  	[sflag:s5] =	ssyncset.done $0x0  }
0x21: {  	s25 =	rddreg [dreg:$0x6];
	[sflag:s5] =	ssyncadd.s32 $0xFFFFF620  }
0x22: {  	[tilespmem:s4], [sflag:$0x3] =	stream.linear.gather [hbm4b:s25+s4], $0x2800, $0x38;
	[tilespmem:$0x1EE00] =	vst v63  }
0x23: {  	_ =	swait.ge [sflag:s5], $0x2800  }
0x24: {  	[sflag:s5] =	ssyncset.done $0x0  }
0x25: {  	s8 =	simm.s32 $0x2800;
	s26 =	rddreg [dreg:$0x7];
	[sflag:s5] =	ssyncadd.s32 $0xFFFFD800  }
0x26: {  	[tilespmem:s8], [sflag:$0x3] =	stream.linear.gather [hbm4b:s26+s4], $0x2800, $0x38;
	[tilespmem:$0x1EE00] =	vst v63  }
0x27: {  	_ =	swait.ge [sflag:s5], $0x2800  }
0x28: {  	[sflag:s5] =	ssyncset.done $0x0  }
0x29: {  	[sflag:s5] =	ssyncadd.s32 $0xFFFFD800  }
0x2a: {  	s9 =	simm.s32 $0x400;
	s10 =	simm.s32 $0x5000;
	[bflag:$0x0] =	sbarrier.arrive $0xFFFF  }
0x2b: {  	[tilespmem:s10], [sflag:$0x1] =	stream.indirect.gather [spmem:s3], $0x20, s4, s9, $0xb8;
	[tilespmem:$0x1EE00] =	vst v63  }
0x2c: {  	s11 =	simm.s32 $0xD000;
	s12 =	simm.s32 $0x1  }
0x2d: {  	[tilespmem:s11], [sflag:$0x2] =	stream.indirect.gather [spmem:s3], $0x20, s9, s9, $0xb8;
	[tilespmem:$0x1EE00] =	vst v63  }
0x2e: {  	_ =	swait.ge [sflag:s12], $0x8000  }
0x2f: {  	[sflag:s12] =	ssyncset.done $0x0  }
0x30: {  	[sflag:s12] =	ssyncadd.s32 $0xFFFF8000  }
0x31: {  	[spmem:s2] =	stream.indirect.scatter.add.f32 [tilespmem:s10], [sflag:$0x3], $0x20, s8, s9, $0xb8;
	[tilespmem:$0x1EE00] =	vst v63  }
0x32: {  	_ =	swait.ge [sflag:s5], $0x8000  }
0x33: {  	[sflag:s5] =	ssyncset.done $0x0  }
0x34: {  	s13 =	simm.s32 $0x2;
	s14 =	rddreg [dreg:$0xe];
	[sflag:s5] =	ssyncadd.s32 $0xFFFF8000  }
0x35: {  	[tilespmem:s10], [sflag:$0x1] =	stream.indirect.gather [spmem:s3], $0x20, s14, s9, $0xb8;
	[tilespmem:$0x1EE00] =	vst v63  }
0x36: {  	_ =	swait.ge [sflag:s13], $0x8000  }
0x37: {  	[sflag:s13] =	ssyncset.done $0x0  }
0x38: {  	s0 =	rddreg [dreg:$0xf];
	[sflag:s13] =	ssyncadd.s32 $0xFFFF8000  }
0x39: {  	[spmem:s2] =	stream.indirect.scatter.add.f32 [tilespmem:s11], [sflag:$0x3], $0x20, s0, s9, $0xb8;
	[tilespmem:$0x1EE00] =	vst v63  }
0x3a: {  	_ =	swait.ge [sflag:s5], $0x8000  }
0x3b: {  	[sflag:s5] =	ssyncset.done $0x0  }
0x3c: {  	s1 =	simm.s32 $0xC00;
	[sflag:s5] =	ssyncadd.s32 $0xFFFF8000  }
0x3d: {  	[tilespmem:s11], [sflag:$0x2] =	stream.indirect.gather [spmem:s3], $0x20, s1, s9, $0xb8;
	[tilespmem:$0x1EE00] =	vst v63  }
0x3e: {  	_ =	swait.ge [sflag:s12], $0x8000  }
0x3f: {  	[sflag:s12] =	ssyncset.done $0x0  }
0x40: {  	s15 =	simm.s32 $0x3000;
	[sflag:s12] =	ssyncadd.s32 $0xFFFF8000  }
0x41: {  	[spmem:s2] =	stream.indirect.scatter.add.f32 [tilespmem:s10], [sflag:$0x3], $0x20, s15, s9, $0xb8;
	[tilespmem:$0x1EE00] =	vst v63  }
0x42: {  	_ =	swait.ge [sflag:s5], $0x8000  }
0x43: {  	[sflag:s5] =	ssyncset.done $0x0  }
0x44: {  	s16 =	simm.s32 $0x1000;
	[sflag:s5] =	ssyncadd.s32 $0xFFFF8000  }
0x45: {  	[tilespmem:s10], [sflag:$0x1] =	stream.indirect.gather [spmem:s3], $0x20, s16, s9, $0xb8;
	[tilespmem:$0x1EE00] =	vst v63  }
0x46: {  	_ =	swait.ge [sflag:s13], $0x8000  }
0x47: {  	[sflag:s13] =	ssyncset.done $0x0  }
0x48: {  	s17 =	simm.s32 $0x3400;
	[sflag:s13] =	ssyncadd.s32 $0xFFFF8000  }
0x49: {  	[spmem:s2] =	stream.indirect.scatter.add.f32 [tilespmem:s11], [sflag:$0x3], $0x20, s17, s9, $0xb8;
	[tilespmem:$0x1EE00] =	vst v63  }
0x4a: {  	_ =	swait.ge [sflag:s5], $0x8000  }
0x4b: {  	[sflag:s5] =	ssyncset.done $0x0  }
0x4c: {  	s18 =	simm.s32 $0x1400;
	[sflag:s5] =	ssyncadd.s32 $0xFFFF8000  }
0x4d: {  	[tilespmem:s11], [sflag:$0x2] =	stream.indirect.gather [spmem:s3], $0x20, s18, s9, $0xb8;
	[tilespmem:$0x1EE00] =	vst v63  }
0x4e: {  	_ =	swait.ge [sflag:s12], $0x8000  }
0x4f: {  	[sflag:s12] =	ssyncset.done $0x0  }
0x50: {  	s19 =	simm.s32 $0x3800;
	[sflag:s12] =	ssyncadd.s32 $0xFFFF8000  }
0x51: {  	[spmem:s2] =	stream.indirect.scatter.add.f32 [tilespmem:s10], [sflag:$0x3], $0x20, s19, s9, $0xb8;
	[tilespmem:$0x1EE00] =	vst v63  }
0x52: {  	_ =	swait.ge [sflag:s5], $0x8000  }
0x53: {  	[sflag:s5] =	ssyncset.done $0x0  }
0x54: {  	s20 =	simm.s32 $0x1800;
	[sflag:s5] =	ssyncadd.s32 $0xFFFF8000  }
0x55: {  	[tilespmem:s10], [sflag:$0x1] =	stream.indirect.gather [spmem:s3], $0x20, s20, s9, $0xb8;
	[tilespmem:$0x1EE00] =	vst v63  }
0x56: {  	_ =	swait.ge [sflag:s13], $0x8000  }
0x57: {  	[sflag:s13] =	ssyncset.done $0x0  }
0x58: {  	s21 =	simm.s32 $0x3C00;
	[sflag:s13] =	ssyncadd.s32 $0xFFFF8000  }
0x59: {  	[spmem:s2] =	stream.indirect.scatter.add.f32 [tilespmem:s11], [sflag:$0x3], $0x20, s21, s9, $0xb8;
	[tilespmem:$0x1EE00] =	vst v63  }
0x5a: {  	_ =	swait.ge [sflag:s5], $0x8000  }
0x5b: {  	[sflag:s5] =	ssyncset.done $0x0  }
0x5c: {  	s22 =	simm.s32 $0x1C00;
	[sflag:s5] =	ssyncadd.s32 $0xFFFF8000  }
0x5d: {  	[tilespmem:s11], [sflag:$0x2] =	stream.indirect.gather [spmem:s3], $0x20, s22, s9, $0xb8;
	[tilespmem:$0x1EE00] =	vst v63  }
0x5e: {  	_ =	swait.ge [sflag:s12], $0x8000  }
0x5f: {  	[sflag:s12] =	ssyncset.done $0x0  }
0x60: {  	s23 =	simm.s32 $0x4000;
	[sflag:s12] =	ssyncadd.s32 $0xFFFF8000  }
0x61: {  	[spmem:s2] =	stream.indirect.scatter.add.f32 [tilespmem:s10], [sflag:$0x3], $0x20, s23, s9, $0xb8;
	[tilespmem:$0x1EE00] =	vst v63  }
0x62: {  	_ =	swait.ge [sflag:s5], $0x8000  }
0x63: {  	[sflag:s5] =	ssyncset.done $0x0  }
0x64: {  	s24 =	simm.s32 $0x2000;
	[sflag:s5] =	ssyncadd.s32 $0xFFFF8000  }
0x65: {  	[tilespmem:s10], [sflag:$0x1] =	stream.indirect.gather [spmem:s3], $0x20, s24, s9, $0xb8;
	[tilespmem:$0x1EE00] =	vst v63  }
0x66: {  	_ =	swait.ge [sflag:s13], $0x8000  }
0x67: {  	[sflag:s13] =	ssyncset.done $0x0  }
0x68: {  	s25 =	simm.s32 $0x4400;
	[sflag:s13] =	ssyncadd.s32 $0xFFFF8000  }
0x69: {  	[spmem:s2] =	stream.indirect.scatter.add.f32 [tilespmem:s11], [sflag:$0x3], $0x20, s25, s9, $0xb8;
	[tilespmem:$0x1EE00] =	vst v63  }
0x6a: {  	_ =	swait.ge [sflag:s5], $0x8000  }
0x6b: {  	[sflag:s5] =	ssyncset.done $0x0  }
0x6c: {  	s26 =	simm.s32 $0x2400;
	[sflag:s5] =	ssyncadd.s32 $0xFFFF8000  }
0x6d: {  	[tilespmem:s11], [sflag:$0x2] =	stream.indirect.gather [spmem:s3], $0x20, s26, s9, $0xb8;
	[tilespmem:$0x1EE00] =	vst v63  }
0x6e: {  	_ =	swait.ge [sflag:s12], $0x8000  }
0x6f: {  	[sflag:s12] =	ssyncset.done $0x0  }
0x70: {  	s28 =	simm.s32 $0x4800;
	[sflag:s12] =	ssyncadd.s32 $0xFFFF8000  }
0x71: {  	[spmem:s2] =	stream.indirect.scatter.add.f32 [tilespmem:s10], [sflag:$0x3], $0x20, s28, s9, $0xb8;
	[tilespmem:$0x1EE00] =	vst v63  }
0x72: {  	_ =	swait.ge [sflag:s5], $0x8000  }
0x73: {  	[sflag:s5] =	ssyncset.done $0x0  }
0x74: {  	s30 =	ssub.s32 $0x2, s30;
	[sflag:s5] =	ssyncadd.s32 $0xFFFF8000  }
0x75: {  	s14 =	sshrl.u32 s30, $0x1;
	_ =	swait.ge [sflag:s13], $0x8000  }
0x76: {  	s0 =	ssub.s32 s30, s14;
	[sflag:s13] =	ssyncset.done $0x0  }
0x77: {  	s29 =	simm.s32 $0x4C00;
	s0 =	smax.u32 s0, $0x1;
	[sflag:s13] =	ssyncadd.s32 $0xFFFF8000  }
0x78: {  	[spmem:s2] =	stream.indirect.scatter.add.f32 [tilespmem:s11], [sflag:$0x3], $0x20, s29, s9, $0xb8;
	[tilespmem:$0x1EE00] =	vst v63  }
0x79: {  	s30 =	sshrl.u32 s31, $0x3;
	s31 =	sadd.s32 $0xFFFFFFFF, s0;
	_ =	swait.ge [sflag:s5], $0x8000  }
0x7a: {  	p1 =	sne.s32 s31, $0x0;
	[sflag:s5] =	ssyncset.done $0x0  }
.Ltmp0:
0x7b: {  	[sflag:s5] =	ssyncadd.s32 $0xFFFF8000;
	(pc) =	sbr.rel @!p1 .LBB2_2-.Ltmp0, $4  }
0x7c: {  	[bflag:$0x0] =	sbarrier.arrive $0xFFFF  }
0x7d: {  	s1 =	rddreg [dreg:$0x8]  }
0x7e: {  	[hbm:s1], [sflag:s7] =	dma.local [spmem:s30], $0x9E0  }
0x7f: {  	_ =	swait.ge [sflag:s5], $0x9E0  }
.LBB2_1:
0x80: {  	s0 =	rddreg [dreg:$0x5]  }
0x81: {  	[sflag:s5] =	ssyncset.done $0x0;
	s1 =	rddreg [dreg:$0xa]  }
0x82: {  	s14 =	rddreg [dreg:$0x9];
	[sflag:s5] =	ssyncadd.s32 $0xFFFFF620  }
0x83: {  	[spmem:s1], [sflag:s14] =	dma.local @p0 [hbm:s0], $0x9E0  }
0x84: {  	s0 =	rddreg [dreg:$0xc]  }
0x85: {  	s1 =	rddreg [dreg:$0xb]  }
0x86: {  	[spmem:s0], [sflag:s1] =	dma.local @!p0 [hbm:s6], $0x9E0  }
0x87: {  	_ =	swait.ge [sflag:s5], $0x9E0  }
0x88: {  	[sflag:s5] =	ssyncset.done $0x0  }
0x89: {  	s14 =	rddreg [dreg:$0xd];
	[sflag:s5] =	ssyncadd.s32 $0xFFFFF620  }
0x8a: {  	[spmem:s14], [sflag:s7] =	dma.local [hbm:s6], $0x9E0  }
0x8b: {  	_ =	swait.ge [sflag:s5], $0x9E0  }
0x8c: {  	[sflag:s5] =	ssyncset.done $0x0  }
0x8d: {  	s1 =	rddreg [dreg:$0x6];
	[sflag:s5] =	ssyncadd.s32 $0xFFFFF620  }
0x8e: {  	[tilespmem:s4], [sflag:$0x3] =	stream.linear.gather [hbm4b:s1+s4], $0x2800, $0x38;
	[tilespmem:$0x1EE00] =	vst v63  }
0x8f: {  	_ =	swait.ge [sflag:s5], $0x2800  }
0x90: {  	[sflag:s5] =	ssyncset.done $0x0  }
0x91: {  	s14 =	rddreg [dreg:$0x7];
	[sflag:s5] =	ssyncadd.s32 $0xFFFFD800  }
0x92: {  	[tilespmem:s8], [sflag:$0x3] =	stream.linear.gather [hbm4b:s14+s4], $0x2800, $0x38;
	[tilespmem:$0x1EE00] =	vst v63  }
0x93: {  	_ =	swait.ge [sflag:s5], $0x2800  }
0x94: {  	[sflag:s5] =	ssyncset.done $0x0  }
0x95: {  	[sflag:s5] =	ssyncadd.s32 $0xFFFFD800  }
0x96: {  	[bflag:$0x0] =	sbarrier.arrive $0xFFFF  }
0x97: {  	[tilespmem:s10], [sflag:$0x1] =	stream.indirect.gather [spmem:s3], $0x20, s4, s9, $0xb8;
	[tilespmem:$0x1EE00] =	vst v63  }
0x98: {  	_ = 	snop  }
0x99: {  	[tilespmem:s11], [sflag:$0x2] =	stream.indirect.gather [spmem:s3], $0x20, s9, s9, $0xb8;
	[tilespmem:$0x1EE00] =	vst v63  }
0x9a: {  	_ =	swait.ge [sflag:s12], $0x8000  }
0x9b: {  	[sflag:s12] =	ssyncset.done $0x0  }
0x9c: {  	[sflag:s12] =	ssyncadd.s32 $0xFFFF8000  }
0x9d: {  	[spmem:s2] =	stream.indirect.scatter.add.f32 [tilespmem:s10], [sflag:$0x3], $0x20, s8, s9, $0xb8;
	[tilespmem:$0x1EE00] =	vst v63  }
0x9e: {  	_ =	swait.ge [sflag:s5], $0x8000  }
0x9f: {  	[sflag:s5] =	ssyncset.done $0x0  }
0xa0: {  	s1 =	rddreg [dreg:$0xe];
	[sflag:s5] =	ssyncadd.s32 $0xFFFF8000  }
0xa1: {  	[tilespmem:s10], [sflag:$0x1] =	stream.indirect.gather [spmem:s3], $0x20, s1, s9, $0xb8;
	[tilespmem:$0x1EE00] =	vst v63  }
0xa2: {  	_ =	swait.ge [sflag:s13], $0x8000  }
0xa3: {  	[sflag:s13] =	ssyncset.done $0x0  }
0xa4: {  	s14 =	rddreg [dreg:$0xf];
	[sflag:s13] =	ssyncadd.s32 $0xFFFF8000  }
0xa5: {  	[spmem:s2] =	stream.indirect.scatter.add.f32 [tilespmem:s11], [sflag:$0x3], $0x20, s14, s9, $0xb8;
	[tilespmem:$0x1EE00] =	vst v63  }
0xa6: {  	_ =	swait.ge [sflag:s5], $0x8000  }
0xa7: {  	[sflag:s5] =	ssyncset.done $0x0  }
0xa8: {  	s1 =	simm.s32 $0xC00;
	[sflag:s5] =	ssyncadd.s32 $0xFFFF8000  }
0xa9: {  	[tilespmem:s11], [sflag:$0x2] =	stream.indirect.gather [spmem:s3], $0x20, s1, s9, $0xb8;
	[tilespmem:$0x1EE00] =	vst v63  }
0xaa: {  	_ =	swait.ge [sflag:s12], $0x8000  }
0xab: {  	[sflag:s12] =	ssyncset.done $0x0  }
0xac: {  	[sflag:s12] =	ssyncadd.s32 $0xFFFF8000  }
0xad: {  	[spmem:s2] =	stream.indirect.scatter.add.f32 [tilespmem:s10], [sflag:$0x3], $0x20, s15, s9, $0xb8;
	[tilespmem:$0x1EE00] =	vst v63  }
0xae: {  	_ =	swait.ge [sflag:s5], $0x8000  }
0xaf: {  	[sflag:s5] =	ssyncset.done $0x0  }
0xb0: {  	[sflag:s5] =	ssyncadd.s32 $0xFFFF8000  }
0xb1: {  	[tilespmem:s10], [sflag:$0x1] =	stream.indirect.gather [spmem:s3], $0x20, s16, s9, $0xb8;
	[tilespmem:$0x1EE00] =	vst v63  }
0xb2: {  	_ =	swait.ge [sflag:s13], $0x8000  }
0xb3: {  	[sflag:s13] =	ssyncset.done $0x0  }
0xb4: {  	[sflag:s13] =	ssyncadd.s32 $0xFFFF8000  }
0xb5: {  	[spmem:s2] =	stream.indirect.scatter.add.f32 [tilespmem:s11], [sflag:$0x3], $0x20, s17, s9, $0xb8;
	[tilespmem:$0x1EE00] =	vst v63  }
0xb6: {  	_ =	swait.ge [sflag:s5], $0x8000  }
0xb7: {  	[sflag:s5] =	ssyncset.done $0x0  }
0xb8: {  	[sflag:s5] =	ssyncadd.s32 $0xFFFF8000  }
0xb9: {  	[tilespmem:s11], [sflag:$0x2] =	stream.indirect.gather [spmem:s3], $0x20, s18, s9, $0xb8;
	[tilespmem:$0x1EE00] =	vst v63  }
0xba: {  	_ =	swait.ge [sflag:s12], $0x8000  }
0xbb: {  	[sflag:s12] =	ssyncset.done $0x0  }
0xbc: {  	[sflag:s12] =	ssyncadd.s32 $0xFFFF8000  }
0xbd: {  	[spmem:s2] =	stream.indirect.scatter.add.f32 [tilespmem:s10], [sflag:$0x3], $0x20, s19, s9, $0xb8;
	[tilespmem:$0x1EE00] =	vst v63  }
0xbe: {  	_ =	swait.ge [sflag:s5], $0x8000  }
0xbf: {  	[sflag:s5] =	ssyncset.done $0x0  }
0xc0: {  	[sflag:s5] =	ssyncadd.s32 $0xFFFF8000  }
0xc1: {  	[tilespmem:s10], [sflag:$0x1] =	stream.indirect.gather [spmem:s3], $0x20, s20, s9, $0xb8;
	[tilespmem:$0x1EE00] =	vst v63  }
0xc2: {  	_ =	swait.ge [sflag:s13], $0x8000  }
0xc3: {  	[sflag:s13] =	ssyncset.done $0x0  }
0xc4: {  	[sflag:s13] =	ssyncadd.s32 $0xFFFF8000  }
0xc5: {  	[spmem:s2] =	stream.indirect.scatter.add.f32 [tilespmem:s11], [sflag:$0x3], $0x20, s21, s9, $0xb8;
	[tilespmem:$0x1EE00] =	vst v63  }
0xc6: {  	_ =	swait.ge [sflag:s5], $0x8000  }
0xc7: {  	[sflag:s5] =	ssyncset.done $0x0  }
0xc8: {  	[sflag:s5] =	ssyncadd.s32 $0xFFFF8000  }
0xc9: {  	[tilespmem:s11], [sflag:$0x2] =	stream.indirect.gather [spmem:s3], $0x20, s22, s9, $0xb8;
	[tilespmem:$0x1EE00] =	vst v63  }
0xca: {  	_ =	swait.ge [sflag:s12], $0x8000  }
0xcb: {  	[sflag:s12] =	ssyncset.done $0x0  }
0xcc: {  	[sflag:s12] =	ssyncadd.s32 $0xFFFF8000  }
0xcd: {  	[spmem:s2] =	stream.indirect.scatter.add.f32 [tilespmem:s10], [sflag:$0x3], $0x20, s23, s9, $0xb8;
	[tilespmem:$0x1EE00] =	vst v63  }
0xce: {  	_ =	swait.ge [sflag:s5], $0x8000  }
0xcf: {  	[sflag:s5] =	ssyncset.done $0x0  }
0xd0: {  	[sflag:s5] =	ssyncadd.s32 $0xFFFF8000  }
0xd1: {  	[tilespmem:s10], [sflag:$0x1] =	stream.indirect.gather [spmem:s3], $0x20, s24, s9, $0xb8;
	[tilespmem:$0x1EE00] =	vst v63  }
0xd2: {  	_ =	swait.ge [sflag:s13], $0x8000  }
0xd3: {  	[sflag:s13] =	ssyncset.done $0x0  }
0xd4: {  	[sflag:s13] =	ssyncadd.s32 $0xFFFF8000  }
0xd5: {  	[spmem:s2] =	stream.indirect.scatter.add.f32 [tilespmem:s11], [sflag:$0x3], $0x20, s25, s9, $0xb8;
	[tilespmem:$0x1EE00] =	vst v63  }
0xd6: {  	_ =	swait.ge [sflag:s5], $0x8000  }
0xd7: {  	[sflag:s5] =	ssyncset.done $0x0  }
0xd8: {  	[sflag:s5] =	ssyncadd.s32 $0xFFFF8000  }
0xd9: {  	[tilespmem:s11], [sflag:$0x2] =	stream.indirect.gather [spmem:s3], $0x20, s26, s9, $0xb8;
	[tilespmem:$0x1EE00] =	vst v63  }
0xda: {  	_ =	swait.ge [sflag:s12], $0x8000  }
0xdb: {  	[sflag:s12] =	ssyncset.done $0x0  }
0xdc: {  	[sflag:s12] =	ssyncadd.s32 $0xFFFF8000  }
0xdd: {  	[spmem:s2] =	stream.indirect.scatter.add.f32 [tilespmem:s10], [sflag:$0x3], $0x20, s28, s9, $0xb8;
	[tilespmem:$0x1EE00] =	vst v63  }
0xde: {  	_ =	swait.ge [sflag:s5], $0x8000  }
0xdf: {  	[sflag:s5] =	ssyncset.done $0x0  }
0xe0: {  	[sflag:s5] =	ssyncadd.s32 $0xFFFF8000  }
0xe1: {  	_ =	swait.ge [sflag:s13], $0x8000  }
0xe2: {  	[sflag:s13] =	ssyncset.done $0x0  }
0xe3: {  	[sflag:s13] =	ssyncadd.s32 $0xFFFF8000  }
0xe4: {  	[spmem:s2] =	stream.indirect.scatter.add.f32 [tilespmem:s11], [sflag:$0x3], $0x20, s29, s9, $0xb8;
	[tilespmem:$0x1EE00] =	vst v63  }
0xe5: {  	s31 =	sadd.s32 $0xFFFFFFFF, s31;
	_ =	swait.ge [sflag:s5], $0x8000  }
0xe6: {  	p1 =	sne.s32 s31, $0x0;
	[sflag:s5] =	ssyncset.done $0x0  }
.Ltmp1:
0xe7: {  	[sflag:s5] =	ssyncadd.s32 $0xFFFF8000;
	(pc) =	sbr.rel @p1 .LBB2_1-.Ltmp1, $4  }
0xe8: {  	[bflag:$0x0] =	sbarrier.arrive $0xFFFF  }
0xe9: {  	s14 =	rddreg [dreg:$0x8]  }
0xea: {  	[hbm:s14], [sflag:s7] =	dma.local [spmem:s30], $0x9E0  }
0xeb: {  	_ =	swait.ge [sflag:s5], $0x9E0  }
.LBB2_2:
0xec: {  	[sflag:s5] =	ssyncset.done $0x0  }
0xed: {  	[sflag:s5] =	ssyncadd.s32 $0xFFFFF620  }
0xee: {  	_ =	sfence.sel $0x180000  }
0xef: {  	[bflag:$0x0] =	sbarrier.arrive $0xFFFF  }
0xf0: {  	_ =	strace $0x9000004A  }
0xf1: {  	s0 =	stileid.u32;
	[bflag:$0x2] =	sbarrier.arrive $0xFFFF  }
0xf2: {  	p0 =	sne.s32 s0, $0x0;
	s0 =	rddreg [dreg:$0x4]  }
0xf3: {  	s0 =	sadd.s32 @!p0 $0x100000, s0  }
0xf4: {  	[sflag:s0] =	ssyncadd.tile.s32 @!p0 $0x1;
	_ =	shalt  }
.Lfunc_end2:
_tile_overlayer_lowered:
.L_overlay_start_2:
0xf5: {  	(tag) =	ssettag $0x2  }
0xf6: {  	s0 =	rddreg [dreg:$0x0];
	s2 =	stileid.u32  }
0xf7: {  	s1 =	rddreg [dreg:$0x1];
	p0 =	sne.s32 s2, $0x0  }
0xf8: {  	s3 =	rddreg [dreg:$0x2];
	[bflag:$0x3] =	sbarrier.arrive $0xFFFF;
	s2 =	simm.s32 @!p0 $0x1C03  }
0xf9: {  	[timem:s3], [sflag:s2] =	dma.local @!p0 [hbm:s0], s1  }
0xfa: {  	s0 =	simm.s32 @!p0 $0x3  }
0xfb: {  	_ =	swait.ge @!p0 [sflag:s0], s1  }
0xfc: {  	s1 =	ssub.s32 @!p0 $0x0, s1;
	[sflag:s0] =	ssyncset.done @!p0 $0x0  }
0xfd: {  	[sflag:s0] =	ssyncadd.s32 @!p0 s1  }
0xfe: {  	[bflag:$0x3] =	sbarrier.arrive $0xFFFF  }
0xff: {  	_ =	shalt  }

// kernel: kernel.14.cloned.1.call-start
scs
__scs_entry_jumppad:
0x0: {  	(pc) =	sbr.rel $0x88, $3  }
0x1: {  	(tag) =	ssettag $0x0;
	lr =	simm.s32 $0x1  }
0x2: {  	[smem:$0x3F99] =	sst lr;
	_ =	strace $0xD0000000  }
0x3: {  	_ = 	snop  }
0x4: {  	_ = 	snop  }
0x5: {  	_ = 	snop  }
0x6: {  	_ = 	snop  }
0x7: {  	_ = 	snop  }
__scs_overlays_trampoline_lowered:
0x8: {  	[smem:$0x3FA8] =	sst s0  }
0x9: {  	[smem:$0x3FA9] =	sst s1  }
0xa: {  	[smem:$0x3FAA] =	sst s2  }
0xb: {  	[smem:$0x3FAB] =	sst s3  }
0xc: {  	[smem:$0x3FAC] =	sst s4  }
0xd: {  	[smem:$0x3FAD] =	sst s5  }
0xe: {  	[smem:$0x3FAE] =	sst s6  }
0xf: {  	[smem:$0x3FAF] =	sst s7  }
0x10: {  	[smem:$0x3FB0] =	sst s8  }
0x11: {  	[smem:$0x3FB1] =	sst s9;
	s0 =	simm.s32 @!p0 $0x0  }
0x12: {  	s1 =	sld [smem:$0x3F97];
	s0 =	simm.s32 @p0 $0x1  }
0x13: {  	[smem:$0x3FB2] =	sst s0;
	s0 =	simm.s32 @!p1 $0x0  }
0x14: {  	s2 =	sld [smem:$0x3F96];
	s0 =	simm.s32 @p1 $0x1  }
0x15: {  	[smem:$0x3FB3] =	sst s0;
	s0 =	simm.s32 @!p2 $0x0  }
0x16: {  	s3 =	sld [smem:$0x3FDB];
	s0 =	simm.s32 @p2 $0x1  }
0x17: {  	s4 =	simm.s32 $0x1BF5;
	[smem:$0x3FB5] =	sst s0  }
0x18: {  	s0 =	sld [smem:$0x3F98];
	_ =	swait.ge [sflag:s4], $0x0  }
0x19: {  	s7 =	sld [smem:$0x3F99]  }
0x1a: {  	s8 =	sadd.s32 $0xFFFFE003, lr  }
0x1b: {  	s9 =	sadd.s32 $0xFFFFFEF7, lr;
	s5 =	simm.s32 $0xFFFFFFFF;
	p2 =	slt.u32 s8, $0xFFFFF086  }
0x1c: {  	p1 =	slt.u32 s9, $0xF7A;
	s5 =	simm.s32 @!p2 $0x0  }
0x1d: {  	s5 =	simm.s32 @p1 $0x1;
	p0 =	seq.s32 s7, s2  }
0x1e: {  	s7 =	smul.u32 @!p0 $0xF7A, s2;
	p2 =	seq.s32 @!p0 s5, $0x0  }
0x1f: {  	s9 =	smul.u32 $0xF7A, s1;
	s8 =	simm.s32 @!p0 $0x1BF5;
	p2 =	por !p2, p0  }
0x20: {  	[sflag:s8] =	ssyncset.s32 @!p0 $0xFFFFF086;
	s6 =	sadd.s32 @!p0 s3, s7;
	s7 =	simm.s32 @!p0 $0x108  }
0x21: {  	s3 =	sadd.s32 s3, s9;
	s6 =	sadd.s32 @!p0 $0x88, s6;
	s7 =	simm.s32 @p2 $0x1082  }
0x22: {  	[simem:s7], [sflag:s8] =	dma.local @!p0 [hbm:s6], $0xF7A  }
0x23: {  	s9 =	sor.u32 $0xD0000000, s2;
	s6 =	simm.s32 $0x108;
	_ =	swait.ge @!p0 [sflag:s8], $0x0  }
0x24: {  	s3 =	sadd.s32 $0x88, s3;
	s6 =	simm.s32 @!p1 $0x1082;
	[sflag:s4] =	ssyncset.s32 $0xFFFFF086  }
0x25: {  	[simem:s6], [sflag:s4] =	dma.local [hbm:s3], $0xF7A  }
0x26: {  	[smem:$0x3F99] =	sst s1;
	(tag) =	ssettag s2;
	_ =	strace s9  }
0x27: {  	s1 =	sld [smem:$0x3FA9]  }
0x28: {  	s2 =	sld [smem:$0x3FAA]  }
0x29: {  	s4 =	sld [smem:$0x3FAC]  }
0x2a: {  	p0 =	seq.s32 s5, $0x0;
	s5 =	sld [smem:$0x3FAD]  }
0x2b: {  	s6 =	sld [smem:$0x3FAE]  }
0x2c: {  	s7 =	sld [smem:$0x3FAF]  }
0x2d: {  	s3 =	simm.s32 $0x108;
	s8 =	sld [smem:$0x3FB0]  }
0x2e: {  	s3 =	simm.s32 @!p0 $0x1082;
	s9 =	sld [smem:$0x3FB1]  }
0x2f: {  	lr =	sadd.s32 s0, s3;
	s0 =	sld [smem:$0x3FA8]  }
0x30: {  	s3 =	sld [smem:$0x3FAB]  }
0x31: {  	[smem:$0x3FB4] =	sst s10  }
0x32: {  	s10 =	sld [smem:$0x3FB2];
	_ =	sdelay $0x3  }
0x33: {  	p0 =	seq.s32 s10, $0x1;
	s10 =	sld [smem:$0x3FB4];
	_ =	sdelay $0x3  }
0x34: {  	[smem:$0x3FB4] =	sst s10  }
0x35: {  	s10 =	sld [smem:$0x3FB3];
	_ =	sdelay $0x3  }
0x36: {  	p1 =	seq.s32 s10, $0x1;
	s10 =	sld [smem:$0x3FB4];
	_ =	sdelay $0x3  }
0x37: {  	[smem:$0x3FB4] =	sst s10  }
0x38: {  	s10 =	sld [smem:$0x3FB5]  }
0x39: {  	_ = 	snop;
	(pc) =	sbr.ind lr, $3  }
0x3a: {  	_ = 	snop  }
0x3b: {  	_ = 	snop  }
0x3c: {  	p2 =	seq.s32 s10, $0x1;
	s10 =	sld [smem:$0x3FB4]  }
0x3d: {  	_ =	shalt  }
0x3e: {  	_ =	shalt  }
0x3f: {  	_ =	shalt  }
0x40: {  	_ =	shalt  }
0x41: {  	_ =	shalt  }
0x42: {  	_ =	shalt  }
0x43: {  	_ =	shalt  }
0x44: {  	_ =	shalt  }
0x45: {  	_ =	shalt  }
0x46: {  	_ =	shalt  }
0x47: {  	_ =	shalt  }
0x48: {  	_ =	shalt  }
0x49: {  	_ =	shalt  }
0x4a: {  	_ =	shalt  }
0x4b: {  	_ =	shalt  }
0x4c: {  	_ =	shalt  }
0x4d: {  	_ =	shalt  }
0x4e: {  	_ =	shalt  }
0x4f: {  	_ =	shalt  }
0x50: {  	_ =	shalt  }
0x51: {  	_ =	shalt  }
0x52: {  	_ =	shalt  }
0x53: {  	_ =	shalt  }
0x54: {  	_ =	shalt  }
0x55: {  	_ =	shalt  }
0x56: {  	_ =	shalt  }
0x57: {  	_ =	shalt  }
0x58: {  	_ =	shalt  }
0x59: {  	_ =	shalt  }
0x5a: {  	_ =	shalt  }
0x5b: {  	_ =	shalt  }
0x5c: {  	_ =	shalt  }
0x5d: {  	_ =	shalt  }
0x5e: {  	_ =	shalt  }
0x5f: {  	_ =	shalt  }
0x60: {  	_ =	shalt  }
0x61: {  	_ =	shalt  }
0x62: {  	_ =	shalt  }
0x63: {  	_ =	shalt  }
0x64: {  	_ =	shalt  }
0x65: {  	_ =	shalt  }
0x66: {  	_ =	shalt  }
0x67: {  	_ =	shalt  }
0x68: {  	_ =	shalt  }
0x69: {  	_ =	shalt  }
0x6a: {  	_ =	shalt  }
0x6b: {  	_ =	shalt  }
0x6c: {  	_ =	shalt  }
0x6d: {  	_ =	shalt  }
0x6e: {  	_ =	shalt  }
0x6f: {  	_ =	shalt  }
0x70: {  	_ =	shalt  }
0x71: {  	_ =	shalt  }
0x72: {  	_ =	shalt  }
0x73: {  	_ =	shalt  }
0x74: {  	_ =	shalt  }
0x75: {  	_ =	shalt  }
0x76: {  	_ =	shalt  }
0x77: {  	_ =	shalt  }
0x78: {  	_ =	shalt  }
0x79: {  	_ =	shalt  }
0x7a: {  	_ =	shalt  }
0x7b: {  	_ =	shalt  }
0x7c: {  	_ =	shalt  }
0x7d: {  	_ =	shalt  }
0x7e: {  	_ =	shalt  }
0x7f: {  	_ =	shalt  }
0x80: {  	_ =	shalt  }
0x81: {  	_ =	shalt  }
0x82: {  	_ =	shalt  }
0x83: {  	_ =	shalt  }
0x84: {  	_ =	shalt  }
0x85: {  	_ =	shalt  }
0x86: {  	_ =	shalt  }
0x87: {  	_ =	shalt  }
.Lfunc_end0:
.L_simem_size_0:
called_computation.2_lowered:
.L_overlay_start_0:
0x88: {  	s2 =	sld [smem:$0x3FD9]  }
0x89: {  	s3 =	sld [smem:$0x3FFE];
	_ =	sdelay $0x1  }
0x8a: {  	s1 =	srdreg.scid  }
0x8b: {  	s0 =	sand.u32 $0x1, s1  }
0x8c: {  	s14 =	sshll.u32 s0, $0xA;
	s2 =	sadd.s32 s3, s2  }
0x8d: {  	s2 =	sadd.s32 s2, s14  }
0x8e: {  	[smem:$0x3FC0] =	sst s2  }
0x8f: {  	_ = 	snop  }
0x90: {  	s2 =	sld [smem:$0x3FD0];
	_ =	sdelay $0x2  }
0x91: {  	s15 =	simm.s32 $0xA;
	s4 =	simm.s32 $0x10  }
0x92: {  	[smem:s4], [sflag:s15] =	dma.local [hbm:s2], $0x1  }
0x93: {  	_ =	swait.eq [sflag:s15], $0x1  }
0x94: {  	[sflag:s15] =	ssyncset.done $0x0  }
0x95: {  	[sflag:s15] =	ssyncadd.s32 $0xFFFFFFFF  }
0x96: {  	s16 =	sld [smem:$0x11];
	(tm) =	ssettm $0x1  }
0x97: {  	s17 =	sld [smem:$0x3FFB];
	_ =	sdelay $0x3  }
0x98: {  	_ =	strace s17  }
0x99: {  	s3 =	sld [smem:$0x3FFC];
	_ =	sdelay $0x3  }
0x9a: {  	_ =	strace s3  }
0x9b: {  	s3 =	sld [smem:$0x3FFD];
	_ =	sdelay $0x3  }
0x9c: {  	_ =	strace s3  }
0x9d: {  	_ =	strace $0x8FFFFFFF  }
0x9e: {  	s18 =	sld [smem:$0x3FDB];
	_ =	sdelay $0x1  }
0x9f: {  	s19 =	simm.s32 $_scs_section_size  }
0xa0: {  	s5 =	simm.s32 $_size__tile_overlayer_lowered;
	s6 =	simm.s32 $_tile_overlayer_lowered  }
0xa1: {  	s22 =	simm.s32 $0x1BFF;
	s21 =	sshll.u32 s6, $0x1;
	s3 =	sadd.s32 s19, s18  }
0xa2: {  	s7 =	simm.s32 $0x0;
	s20 =	sshll.u32 s5, $0x1;
	s5 =	sadd.s32 s21, s3  }
0xa3: {  	[timem:s7], [sflag:s22] =	dma.local [hbm:s5], s20  }
0xa4: {  	_ =	swait.ge [sflag:s22], s20  }
0xa5: {  	s4 =	ssub.s32 $0x0, s20;
	[sflag:s22] =	ssyncset.done $0x0  }
0xa6: {  	[sflag:s22] =	ssyncadd.s32 s4;
	_ =	sdelay $0x1  }
0xa7: {  	s23 =	simm.s32 $0x1B8B  }
0xa8: {  	_ =	swait.ge [sflag:s23], $0x1  }
0xa9: {  	[sflag:s23] =	ssyncset.done $0x0  }
0xaa: {  	s25 =	simm.s32 $0x1B8E;
	s24 =	sld [smem:$0x3FFE];
	[sflag:s23] =	ssyncadd.s32 $0xFFFFFFFF  }
0xab: {  	s26 =	simm.s32 $execute0_lowered;
	[smem:$0x3FD2] =	sst s25  }
0xac: {  	s5 =	sshll.u32 s26, $0x1;
	_ =	strace $0x8000004C;
	[dreg:$0x1] =	wrdreg $0xFFFFFFFF  }
0xad: {  	s28 =	simm.s32 $_size_execute0_lowered;
	s3 =	sadd.s32 s3, s5;
	[dreg:$0x0] =	wrdreg $0x0  }
0xae: {  	s5 =	sshll.u32 s28, $0x1;
	[dreg:$0x2] =	wrdreg s3  }
0xaf: {  	[dreg:$0x3] =	wrdreg s5  }
0xb0: {  	[dreg:$0x4] =	wrdreg $0xC0  }
0xb1: {  	_ =	task [dreg:s7], $0x5FFFF  }
0xb2: {  	[dreg:$0x1] =	wrdreg $0xFFFFFFFF  }
0xb3: {  	[dreg:$0x0] =	wrdreg $0x60  }
0xb4: {  	[dreg:$0x2] =	wrdreg s24  }
0xb5: {  	[dreg:$0x3] =	wrdreg s16  }
0xb6: {  	[dreg:$0x4] =	wrdreg $0x150000  }
0xb7: {  	[dreg:$0x5] =	wrdreg $0x19F000  }
0xb8: {  	[dreg:$0x6] =	wrdreg $0x9  }
0xb9: {  	_ =	task.clear_ibuf [dreg:s7], $0x7FFFF;
	_ =	strace $0x9000004C  }
0xba: {  	s29 =	simm.s32 $0x9;
	_ =	strace $0x8000004E  }
0xbb: {  	_ =	swait.ge [sflag:s29], $0x1  }
0xbc: {  	[sflag:s29] =	ssyncadd.s32 $0xFFFFFFFF  }
0xbd: {  	_ =	strace $0x9000004E  }
0xbe: {  	_ =	sfence  }
0xbf: {  	s30 =	sld [smem:$0x0];
	_ =	sdelay $0x2  }
0xc0: {  	s31 =	sshll.u32 s1, $0xD;
	s1 =	sshrl.u32 s1, $0x2  }
0xc1: {  	s3 =	sand.u32 $0x4000, s31;
	s1 =	sadd.s32 s1, s30  }
0xc2: {  	s0 =	sor.u32 s3, s0;
	s1 =	sshll.u32 s1, $0x11  }
0xc3: {  	s0 =	sor.u32 s1, s0  }
0xc4: {  	s0 =	sadd.s32 $0x8F2B, s0  }
0xc5: {  	[sflag:s0] =	ssyncadd.remote.s32 $0x1  }
0xc6: {  	_ =	sfence.sel $0xFFFF  }
0xc7: {  	[dreg:$0x0] =	wrdreg $0xFFFFFFFF;
	(pc) =	sbr.abs _section_cstart, $3  }
0xc8: {  	[dreg:$0x1] =	wrdreg $0xFFFFFFFF  }
0xc9: {  	_ =	task.clear_ibuf [dreg:s7], $0x2FFFF;
	_ =	strace $0x9FFFFFFF  }
0xca: {  	(tm) =	ssettm $0x7FFFFFFF  }
0xcb: {  	_ =	shalt  }
tec
execute0_lowered:
.L_overlay_start_1:
0x0: {  	(tag) =	ssettag $0x1  }
0x1: {  	s5 =	rddreg [dreg:$0x0]  }
0x2: {  	s0 =	rddreg [dreg:$0x1]  }
0x3: {  	s2 =	rddreg [dreg:$0x2]  }
0x4: {  	s1 =	srdreg.scid;
	s3 =	rddreg [dreg:$0x3];
	s4 =	simm.s32 $0x0  }
0x5: {  	s21 =	simm.s32 $0x800;
	[dreg:$0x5] =	wrdreg s0;
	s0 =	stileid.u32  }
0x6: {  	s22 =	simm.s32 $0x2C00;
	s30 =	sand.u32 $0x1, s1;
	s6 =	smul.u32 $0x4F00, s0  }
0x7: {  	[smem:$0x7FF] =	sst s4;
	s1 =	sshll.u32 s30, $0x4;
	s8 =	smul.u32 $0x4F000, s30  }
0x8: {  	s9 =	smul.u32 $0x13C00, s0;
	_ =	strace $0x8000004D;
	s7 =	sor.u32 s0, s1  }
0x9: {  	p0 =	sne.s32 s30, $0x0;
	[dreg:$0xe] =	wrdreg s21;
	s7 =	smul.u32 $0x500, s7  }
0xa: {  	[dreg:$0xf] =	wrdreg s22;
	s8 =	sadd.s32 s6, s8;
	s19 =	sadd.s32 s6, s3  }
0xb: {  	s9 =	sshrl.u32 s9, $0x2;
	s20 =	sshrl.u32 s19, $0x3;
	s7 =	sadd.s32 s7, s5  }
0xc: {  	s8 =	sshrl.u32 s8, $0x3;
	[dreg:$0xd] =	wrdreg s20;
	s10 =	sadd.s32 $0xBA00, s7  }
0xd: {  	s8 =	sadd.s32 s8, s5;
	s7 =	sadd.s32 $0x1A00, s7;
	[dreg:$0x6] =	wrdreg s10  }
0xe: {  	s18 =	sadd.s32 $0x1F800, s8;
	s8 =	sshll.u32 @p0 s0, $0x6;
	[dreg:$0x7] =	wrdreg s7  }
0xf: {  	s9 =	sadd.s32 s9, s2;
	[dreg:$0x8] =	wrdreg s18;
	s7 =	sor.u32 @p0 $0x1C03, s8  }
0x10: {  	[dreg:$0x9] =	wrdreg s7;
	s7 =	sshrl.u32 @p0 s9, $0x3  }
0x11: {  	s8 =	sshll.u32 @!p0 s0, $0x6;
	[dreg:$0xa] =	wrdreg s7  }
0x12: {  	s7 =	sor.u32 @!p0 $0x1C03, s8;
	s10 =	rddreg [dreg:$0x9]  }
0x13: {  	s31 =	sadd.s32 s6, s2;
	[dreg:$0xb] =	wrdreg s7  }
0x14: {  	s7 =	sshrl.u32 @!p0 s31, $0x3;
	s8 =	rddreg [dreg:$0xa]  }
0x15: {  	[dreg:$0xc] =	wrdreg s7  }
0x16: {  	s6 =	sshrl.u32 s6, $0x3;
	s7 =	rddreg [dreg:$0x5]  }
0x17: {  	[spmem:s8], [sflag:s10] =	dma.local @p0 [hbm:s7], $0x9E0  }
0x18: {  	s5 =	sadd.s32 s6, s5;
	s7 =	rddreg [dreg:$0xc]  }
0x19: {  	s6 =	sadd.s32 $0x15A00, s5;
	s5 =	simm.s32 $0x3;
	s8 =	rddreg [dreg:$0xb]  }
0x1a: {  	[spmem:s7], [sflag:s8] =	dma.local @!p0 [hbm:s6], $0x9E0  }
0x1b: {  	_ =	swait.ge [sflag:s5], $0x9E0  }
0x1c: {  	s24 =	sshll.u32 s0, $0x6;
	[sflag:s5] =	ssyncset.done $0x0  }
0x1d: {  	s7 =	sor.u32 $0x1C03, s24;
	s23 =	rddreg [dreg:$0xd];
	[sflag:s5] =	ssyncadd.s32 $0xFFFFF620  }
0x1e: {  	[spmem:s23], [sflag:s7] =	dma.local [hbm:s6], $0x9E0  }
0x1f: {  	_ =	swait.ge [sflag:s5], $0x9E0  }
0x20: {  	[sflag:s5] =	ssyncset.done $0x0  }
0x21: {  	s25 =	rddreg [dreg:$0x6];
	[sflag:s5] =	ssyncadd.s32 $0xFFFFF620  }
0x22: {  	[tilespmem:s4], [sflag:$0x3] =	stream.linear.gather [hbm4b:s25+s4], $0x2800, $0x38;
	[tilespmem:$0x1EE00] =	vst v63  }
0x23: {  	_ =	swait.ge [sflag:s5], $0x2800  }
0x24: {  	[sflag:s5] =	ssyncset.done $0x0  }
0x25: {  	s8 =	simm.s32 $0x2800;
	s26 =	rddreg [dreg:$0x7];
	[sflag:s5] =	ssyncadd.s32 $0xFFFFD800  }
0x26: {  	[tilespmem:s8], [sflag:$0x3] =	stream.linear.gather [hbm4b:s26+s4], $0x2800, $0x38;
	[tilespmem:$0x1EE00] =	vst v63  }
0x27: {  	_ =	swait.ge [sflag:s5], $0x2800  }
0x28: {  	[sflag:s5] =	ssyncset.done $0x0  }
0x29: {  	[sflag:s5] =	ssyncadd.s32 $0xFFFFD800  }
0x2a: {  	s9 =	simm.s32 $0x400;
	s10 =	simm.s32 $0x5000;
	[bflag:$0x0] =	sbarrier.arrive $0xFFFF  }
0x2b: {  	[tilespmem:s10], [sflag:$0x1] =	stream.indirect.gather [spmem:s3], $0x20, s4, s9, $0xb8;
	[tilespmem:$0x1EE00] =	vst v63  }
0x2c: {  	s11 =	simm.s32 $0xD000;
	s12 =	simm.s32 $0x1  }
0x2d: {  	[tilespmem:s11], [sflag:$0x2] =	stream.indirect.gather [spmem:s3], $0x20, s9, s9, $0xb8;
	[tilespmem:$0x1EE00] =	vst v63  }
0x2e: {  	_ =	swait.ge [sflag:s12], $0x8000  }
0x2f: {  	[sflag:s12] =	ssyncset.done $0x0  }
0x30: {  	[sflag:s12] =	ssyncadd.s32 $0xFFFF8000  }
0x31: {  	[spmem:s2] =	stream.indirect.scatter.add.f32 [tilespmem:s10], [sflag:$0x3], $0x20, s8, s9, $0xb8;
	[tilespmem:$0x1EE00] =	vst v63  }
0x32: {  	_ =	swait.ge [sflag:s5], $0x8000  }
0x33: {  	[sflag:s5] =	ssyncset.done $0x0  }
0x34: {  	s13 =	simm.s32 $0x2;
	s14 =	rddreg [dreg:$0xe];
	[sflag:s5] =	ssyncadd.s32 $0xFFFF8000  }
0x35: {  	[tilespmem:s10], [sflag:$0x1] =	stream.indirect.gather [spmem:s3], $0x20, s14, s9, $0xb8;
	[tilespmem:$0x1EE00] =	vst v63  }
0x36: {  	_ =	swait.ge [sflag:s13], $0x8000  }
0x37: {  	[sflag:s13] =	ssyncset.done $0x0  }
0x38: {  	s0 =	rddreg [dreg:$0xf];
	[sflag:s13] =	ssyncadd.s32 $0xFFFF8000  }
0x39: {  	[spmem:s2] =	stream.indirect.scatter.add.f32 [tilespmem:s11], [sflag:$0x3], $0x20, s0, s9, $0xb8;
	[tilespmem:$0x1EE00] =	vst v63  }
0x3a: {  	_ =	swait.ge [sflag:s5], $0x8000  }
0x3b: {  	[sflag:s5] =	ssyncset.done $0x0  }
0x3c: {  	s1 =	simm.s32 $0xC00;
	[sflag:s5] =	ssyncadd.s32 $0xFFFF8000  }
0x3d: {  	[tilespmem:s11], [sflag:$0x2] =	stream.indirect.gather [spmem:s3], $0x20, s1, s9, $0xb8;
	[tilespmem:$0x1EE00] =	vst v63  }
0x3e: {  	_ =	swait.ge [sflag:s12], $0x8000  }
0x3f: {  	[sflag:s12] =	ssyncset.done $0x0  }
0x40: {  	s15 =	simm.s32 $0x3000;
	[sflag:s12] =	ssyncadd.s32 $0xFFFF8000  }
0x41: {  	[spmem:s2] =	stream.indirect.scatter.add.f32 [tilespmem:s10], [sflag:$0x3], $0x20, s15, s9, $0xb8;
	[tilespmem:$0x1EE00] =	vst v63  }
0x42: {  	_ =	swait.ge [sflag:s5], $0x8000  }
0x43: {  	[sflag:s5] =	ssyncset.done $0x0  }
0x44: {  	s16 =	simm.s32 $0x1000;
	[sflag:s5] =	ssyncadd.s32 $0xFFFF8000  }
0x45: {  	[tilespmem:s10], [sflag:$0x1] =	stream.indirect.gather [spmem:s3], $0x20, s16, s9, $0xb8;
	[tilespmem:$0x1EE00] =	vst v63  }
0x46: {  	_ =	swait.ge [sflag:s13], $0x8000  }
0x47: {  	[sflag:s13] =	ssyncset.done $0x0  }
0x48: {  	s17 =	simm.s32 $0x3400;
	[sflag:s13] =	ssyncadd.s32 $0xFFFF8000  }
0x49: {  	[spmem:s2] =	stream.indirect.scatter.add.f32 [tilespmem:s11], [sflag:$0x3], $0x20, s17, s9, $0xb8;
	[tilespmem:$0x1EE00] =	vst v63  }
0x4a: {  	_ =	swait.ge [sflag:s5], $0x8000  }
0x4b: {  	[sflag:s5] =	ssyncset.done $0x0  }
0x4c: {  	s18 =	simm.s32 $0x1400;
	[sflag:s5] =	ssyncadd.s32 $0xFFFF8000  }
0x4d: {  	[tilespmem:s11], [sflag:$0x2] =	stream.indirect.gather [spmem:s3], $0x20, s18, s9, $0xb8;
	[tilespmem:$0x1EE00] =	vst v63  }
0x4e: {  	_ =	swait.ge [sflag:s12], $0x8000  }
0x4f: {  	[sflag:s12] =	ssyncset.done $0x0  }
0x50: {  	s19 =	simm.s32 $0x3800;
	[sflag:s12] =	ssyncadd.s32 $0xFFFF8000  }
0x51: {  	[spmem:s2] =	stream.indirect.scatter.add.f32 [tilespmem:s10], [sflag:$0x3], $0x20, s19, s9, $0xb8;
	[tilespmem:$0x1EE00] =	vst v63  }
0x52: {  	_ =	swait.ge [sflag:s5], $0x8000  }
0x53: {  	[sflag:s5] =	ssyncset.done $0x0  }
0x54: {  	s20 =	simm.s32 $0x1800;
	[sflag:s5] =	ssyncadd.s32 $0xFFFF8000  }
0x55: {  	[tilespmem:s10], [sflag:$0x1] =	stream.indirect.gather [spmem:s3], $0x20, s20, s9, $0xb8;
	[tilespmem:$0x1EE00] =	vst v63  }
0x56: {  	_ =	swait.ge [sflag:s13], $0x8000  }
0x57: {  	[sflag:s13] =	ssyncset.done $0x0  }
0x58: {  	s21 =	simm.s32 $0x3C00;
	[sflag:s13] =	ssyncadd.s32 $0xFFFF8000  }
0x59: {  	[spmem:s2] =	stream.indirect.scatter.add.f32 [tilespmem:s11], [sflag:$0x3], $0x20, s21, s9, $0xb8;
	[tilespmem:$0x1EE00] =	vst v63  }
0x5a: {  	_ =	swait.ge [sflag:s5], $0x8000  }
0x5b: {  	[sflag:s5] =	ssyncset.done $0x0  }
0x5c: {  	s22 =	simm.s32 $0x1C00;
	[sflag:s5] =	ssyncadd.s32 $0xFFFF8000  }
0x5d: {  	[tilespmem:s11], [sflag:$0x2] =	stream.indirect.gather [spmem:s3], $0x20, s22, s9, $0xb8;
	[tilespmem:$0x1EE00] =	vst v63  }
0x5e: {  	_ =	swait.ge [sflag:s12], $0x8000  }
0x5f: {  	[sflag:s12] =	ssyncset.done $0x0  }
0x60: {  	s23 =	simm.s32 $0x4000;
	[sflag:s12] =	ssyncadd.s32 $0xFFFF8000  }
0x61: {  	[spmem:s2] =	stream.indirect.scatter.add.f32 [tilespmem:s10], [sflag:$0x3], $0x20, s23, s9, $0xb8;
	[tilespmem:$0x1EE00] =	vst v63  }
0x62: {  	_ =	swait.ge [sflag:s5], $0x8000  }
0x63: {  	[sflag:s5] =	ssyncset.done $0x0  }
0x64: {  	s24 =	simm.s32 $0x2000;
	[sflag:s5] =	ssyncadd.s32 $0xFFFF8000  }
0x65: {  	[tilespmem:s10], [sflag:$0x1] =	stream.indirect.gather [spmem:s3], $0x20, s24, s9, $0xb8;
	[tilespmem:$0x1EE00] =	vst v63  }
0x66: {  	_ =	swait.ge [sflag:s13], $0x8000  }
0x67: {  	[sflag:s13] =	ssyncset.done $0x0  }
0x68: {  	s25 =	simm.s32 $0x4400;
	[sflag:s13] =	ssyncadd.s32 $0xFFFF8000  }
0x69: {  	[spmem:s2] =	stream.indirect.scatter.add.f32 [tilespmem:s11], [sflag:$0x3], $0x20, s25, s9, $0xb8;
	[tilespmem:$0x1EE00] =	vst v63  }
0x6a: {  	_ =	swait.ge [sflag:s5], $0x8000  }
0x6b: {  	[sflag:s5] =	ssyncset.done $0x0  }
0x6c: {  	s26 =	simm.s32 $0x2400;
	[sflag:s5] =	ssyncadd.s32 $0xFFFF8000  }
0x6d: {  	[tilespmem:s11], [sflag:$0x2] =	stream.indirect.gather [spmem:s3], $0x20, s26, s9, $0xb8;
	[tilespmem:$0x1EE00] =	vst v63  }
0x6e: {  	_ =	swait.ge [sflag:s12], $0x8000  }
0x6f: {  	[sflag:s12] =	ssyncset.done $0x0  }
0x70: {  	s28 =	simm.s32 $0x4800;
	[sflag:s12] =	ssyncadd.s32 $0xFFFF8000  }
0x71: {  	[spmem:s2] =	stream.indirect.scatter.add.f32 [tilespmem:s10], [sflag:$0x3], $0x20, s28, s9, $0xb8;
	[tilespmem:$0x1EE00] =	vst v63  }
0x72: {  	_ =	swait.ge [sflag:s5], $0x8000  }
0x73: {  	[sflag:s5] =	ssyncset.done $0x0  }
0x74: {  	s30 =	ssub.s32 $0x2, s30;
	[sflag:s5] =	ssyncadd.s32 $0xFFFF8000  }
0x75: {  	s14 =	sshrl.u32 s30, $0x1;
	_ =	swait.ge [sflag:s13], $0x8000  }
0x76: {  	s0 =	ssub.s32 s30, s14;
	[sflag:s13] =	ssyncset.done $0x0  }
0x77: {  	s29 =	simm.s32 $0x4C00;
	s0 =	smax.u32 s0, $0x1;
	[sflag:s13] =	ssyncadd.s32 $0xFFFF8000  }
0x78: {  	[spmem:s2] =	stream.indirect.scatter.add.f32 [tilespmem:s11], [sflag:$0x3], $0x20, s29, s9, $0xb8;
	[tilespmem:$0x1EE00] =	vst v63  }
0x79: {  	s30 =	sshrl.u32 s31, $0x3;
	s31 =	sadd.s32 $0xFFFFFFFF, s0;
	_ =	swait.ge [sflag:s5], $0x8000  }
0x7a: {  	p1 =	sne.s32 s31, $0x0;
	[sflag:s5] =	ssyncset.done $0x0  }
.Ltmp0:
0x7b: {  	[sflag:s5] =	ssyncadd.s32 $0xFFFF8000;
	(pc) =	sbr.rel @!p1 .LBB2_2-.Ltmp0, $4  }
0x7c: {  	[bflag:$0x0] =	sbarrier.arrive $0xFFFF  }
0x7d: {  	s1 =	rddreg [dreg:$0x8]  }
0x7e: {  	[hbm:s1], [sflag:s7] =	dma.local [spmem:s30], $0x9E0  }
0x7f: {  	_ =	swait.ge [sflag:s5], $0x9E0  }
.LBB2_1:
0x80: {  	s0 =	rddreg [dreg:$0x5]  }
0x81: {  	[sflag:s5] =	ssyncset.done $0x0;
	s1 =	rddreg [dreg:$0xa]  }
0x82: {  	s14 =	rddreg [dreg:$0x9];
	[sflag:s5] =	ssyncadd.s32 $0xFFFFF620  }
0x83: {  	[spmem:s1], [sflag:s14] =	dma.local @p0 [hbm:s0], $0x9E0  }
0x84: {  	s0 =	rddreg [dreg:$0xc]  }
0x85: {  	s1 =	rddreg [dreg:$0xb]  }
0x86: {  	[spmem:s0], [sflag:s1] =	dma.local @!p0 [hbm:s6], $0x9E0  }
0x87: {  	_ =	swait.ge [sflag:s5], $0x9E0  }
0x88: {  	[sflag:s5] =	ssyncset.done $0x0  }
0x89: {  	s14 =	rddreg [dreg:$0xd];
	[sflag:s5] =	ssyncadd.s32 $0xFFFFF620  }
0x8a: {  	[spmem:s14], [sflag:s7] =	dma.local [hbm:s6], $0x9E0  }
0x8b: {  	_ =	swait.ge [sflag:s5], $0x9E0  }
0x8c: {  	[sflag:s5] =	ssyncset.done $0x0  }
0x8d: {  	s1 =	rddreg [dreg:$0x6];
	[sflag:s5] =	ssyncadd.s32 $0xFFFFF620  }
0x8e: {  	[tilespmem:s4], [sflag:$0x3] =	stream.linear.gather [hbm4b:s1+s4], $0x2800, $0x38;
	[tilespmem:$0x1EE00] =	vst v63  }
0x8f: {  	_ =	swait.ge [sflag:s5], $0x2800  }
0x90: {  	[sflag:s5] =	ssyncset.done $0x0  }
0x91: {  	s14 =	rddreg [dreg:$0x7];
	[sflag:s5] =	ssyncadd.s32 $0xFFFFD800  }
0x92: {  	[tilespmem:s8], [sflag:$0x3] =	stream.linear.gather [hbm4b:s14+s4], $0x2800, $0x38;
	[tilespmem:$0x1EE00] =	vst v63  }
0x93: {  	_ =	swait.ge [sflag:s5], $0x2800  }
0x94: {  	[sflag:s5] =	ssyncset.done $0x0  }
0x95: {  	[sflag:s5] =	ssyncadd.s32 $0xFFFFD800  }
0x96: {  	[bflag:$0x0] =	sbarrier.arrive $0xFFFF  }
0x97: {  	[tilespmem:s10], [sflag:$0x1] =	stream.indirect.gather [spmem:s3], $0x20, s4, s9, $0xb8;
	[tilespmem:$0x1EE00] =	vst v63  }
0x98: {  	_ = 	snop  }
0x99: {  	[tilespmem:s11], [sflag:$0x2] =	stream.indirect.gather [spmem:s3], $0x20, s9, s9, $0xb8;
	[tilespmem:$0x1EE00] =	vst v63  }
0x9a: {  	_ =	swait.ge [sflag:s12], $0x8000  }
0x9b: {  	[sflag:s12] =	ssyncset.done $0x0  }
0x9c: {  	[sflag:s12] =	ssyncadd.s32 $0xFFFF8000  }
0x9d: {  	[spmem:s2] =	stream.indirect.scatter.add.f32 [tilespmem:s10], [sflag:$0x3], $0x20, s8, s9, $0xb8;
	[tilespmem:$0x1EE00] =	vst v63  }
0x9e: {  	_ =	swait.ge [sflag:s5], $0x8000  }
0x9f: {  	[sflag:s5] =	ssyncset.done $0x0  }
0xa0: {  	s1 =	rddreg [dreg:$0xe];
	[sflag:s5] =	ssyncadd.s32 $0xFFFF8000  }
0xa1: {  	[tilespmem:s10], [sflag:$0x1] =	stream.indirect.gather [spmem:s3], $0x20, s1, s9, $0xb8;
	[tilespmem:$0x1EE00] =	vst v63  }
0xa2: {  	_ =	swait.ge [sflag:s13], $0x8000  }
0xa3: {  	[sflag:s13] =	ssyncset.done $0x0  }
0xa4: {  	s14 =	rddreg [dreg:$0xf];
	[sflag:s13] =	ssyncadd.s32 $0xFFFF8000  }
0xa5: {  	[spmem:s2] =	stream.indirect.scatter.add.f32 [tilespmem:s11], [sflag:$0x3], $0x20, s14, s9, $0xb8;
	[tilespmem:$0x1EE00] =	vst v63  }
0xa6: {  	_ =	swait.ge [sflag:s5], $0x8000  }
0xa7: {  	[sflag:s5] =	ssyncset.done $0x0  }
0xa8: {  	s1 =	simm.s32 $0xC00;
	[sflag:s5] =	ssyncadd.s32 $0xFFFF8000  }
0xa9: {  	[tilespmem:s11], [sflag:$0x2] =	stream.indirect.gather [spmem:s3], $0x20, s1, s9, $0xb8;
	[tilespmem:$0x1EE00] =	vst v63  }
0xaa: {  	_ =	swait.ge [sflag:s12], $0x8000  }
0xab: {  	[sflag:s12] =	ssyncset.done $0x0  }
0xac: {  	[sflag:s12] =	ssyncadd.s32 $0xFFFF8000  }
0xad: {  	[spmem:s2] =	stream.indirect.scatter.add.f32 [tilespmem:s10], [sflag:$0x3], $0x20, s15, s9, $0xb8;
	[tilespmem:$0x1EE00] =	vst v63  }
0xae: {  	_ =	swait.ge [sflag:s5], $0x8000  }
0xaf: {  	[sflag:s5] =	ssyncset.done $0x0  }
0xb0: {  	[sflag:s5] =	ssyncadd.s32 $0xFFFF8000  }
0xb1: {  	[tilespmem:s10], [sflag:$0x1] =	stream.indirect.gather [spmem:s3], $0x20, s16, s9, $0xb8;
	[tilespmem:$0x1EE00] =	vst v63  }
0xb2: {  	_ =	swait.ge [sflag:s13], $0x8000  }
0xb3: {  	[sflag:s13] =	ssyncset.done $0x0  }
0xb4: {  	[sflag:s13] =	ssyncadd.s32 $0xFFFF8000  }
0xb5: {  	[spmem:s2] =	stream.indirect.scatter.add.f32 [tilespmem:s11], [sflag:$0x3], $0x20, s17, s9, $0xb8;
	[tilespmem:$0x1EE00] =	vst v63  }
0xb6: {  	_ =	swait.ge [sflag:s5], $0x8000  }
0xb7: {  	[sflag:s5] =	ssyncset.done $0x0  }
0xb8: {  	[sflag:s5] =	ssyncadd.s32 $0xFFFF8000  }
0xb9: {  	[tilespmem:s11], [sflag:$0x2] =	stream.indirect.gather [spmem:s3], $0x20, s18, s9, $0xb8;
	[tilespmem:$0x1EE00] =	vst v63  }
0xba: {  	_ =	swait.ge [sflag:s12], $0x8000  }
0xbb: {  	[sflag:s12] =	ssyncset.done $0x0  }
0xbc: {  	[sflag:s12] =	ssyncadd.s32 $0xFFFF8000  }
0xbd: {  	[spmem:s2] =	stream.indirect.scatter.add.f32 [tilespmem:s10], [sflag:$0x3], $0x20, s19, s9, $0xb8;
	[tilespmem:$0x1EE00] =	vst v63  }
0xbe: {  	_ =	swait.ge [sflag:s5], $0x8000  }
0xbf: {  	[sflag:s5] =	ssyncset.done $0x0  }
0xc0: {  	[sflag:s5] =	ssyncadd.s32 $0xFFFF8000  }
0xc1: {  	[tilespmem:s10], [sflag:$0x1] =	stream.indirect.gather [spmem:s3], $0x20, s20, s9, $0xb8;
	[tilespmem:$0x1EE00] =	vst v63  }
0xc2: {  	_ =	swait.ge [sflag:s13], $0x8000  }
0xc3: {  	[sflag:s13] =	ssyncset.done $0x0  }
0xc4: {  	[sflag:s13] =	ssyncadd.s32 $0xFFFF8000  }
0xc5: {  	[spmem:s2] =	stream.indirect.scatter.add.f32 [tilespmem:s11], [sflag:$0x3], $0x20, s21, s9, $0xb8;
	[tilespmem:$0x1EE00] =	vst v63  }
0xc6: {  	_ =	swait.ge [sflag:s5], $0x8000  }
0xc7: {  	[sflag:s5] =	ssyncset.done $0x0  }
0xc8: {  	[sflag:s5] =	ssyncadd.s32 $0xFFFF8000  }
0xc9: {  	[tilespmem:s11], [sflag:$0x2] =	stream.indirect.gather [spmem:s3], $0x20, s22, s9, $0xb8;
	[tilespmem:$0x1EE00] =	vst v63  }
0xca: {  	_ =	swait.ge [sflag:s12], $0x8000  }
0xcb: {  	[sflag:s12] =	ssyncset.done $0x0  }
0xcc: {  	[sflag:s12] =	ssyncadd.s32 $0xFFFF8000  }
0xcd: {  	[spmem:s2] =	stream.indirect.scatter.add.f32 [tilespmem:s10], [sflag:$0x3], $0x20, s23, s9, $0xb8;
	[tilespmem:$0x1EE00] =	vst v63  }
0xce: {  	_ =	swait.ge [sflag:s5], $0x8000  }
0xcf: {  	[sflag:s5] =	ssyncset.done $0x0  }
0xd0: {  	[sflag:s5] =	ssyncadd.s32 $0xFFFF8000  }
0xd1: {  	[tilespmem:s10], [sflag:$0x1] =	stream.indirect.gather [spmem:s3], $0x20, s24, s9, $0xb8;
	[tilespmem:$0x1EE00] =	vst v63  }
0xd2: {  	_ =	swait.ge [sflag:s13], $0x8000  }
0xd3: {  	[sflag:s13] =	ssyncset.done $0x0  }
0xd4: {  	[sflag:s13] =	ssyncadd.s32 $0xFFFF8000  }
0xd5: {  	[spmem:s2] =	stream.indirect.scatter.add.f32 [tilespmem:s11], [sflag:$0x3], $0x20, s25, s9, $0xb8;
	[tilespmem:$0x1EE00] =	vst v63  }
0xd6: {  	_ =	swait.ge [sflag:s5], $0x8000  }
0xd7: {  	[sflag:s5] =	ssyncset.done $0x0  }
0xd8: {  	[sflag:s5] =	ssyncadd.s32 $0xFFFF8000  }
0xd9: {  	[tilespmem:s11], [sflag:$0x2] =	stream.indirect.gather [spmem:s3], $0x20, s26, s9, $0xb8;
	[tilespmem:$0x1EE00] =	vst v63  }
0xda: {  	_ =	swait.ge [sflag:s12], $0x8000  }
0xdb: {  	[sflag:s12] =	ssyncset.done $0x0  }
0xdc: {  	[sflag:s12] =	ssyncadd.s32 $0xFFFF8000  }
0xdd: {  	[spmem:s2] =	stream.indirect.scatter.add.f32 [tilespmem:s10], [sflag:$0x3], $0x20, s28, s9, $0xb8;
	[tilespmem:$0x1EE00] =	vst v63  }
0xde: {  	_ =	swait.ge [sflag:s5], $0x8000  }
0xdf: {  	[sflag:s5] =	ssyncset.done $0x0  }
0xe0: {  	[sflag:s5] =	ssyncadd.s32 $0xFFFF8000  }
0xe1: {  	_ =	swait.ge [sflag:s13], $0x8000  }
0xe2: {  	[sflag:s13] =	ssyncset.done $0x0  }
0xe3: {  	[sflag:s13] =	ssyncadd.s32 $0xFFFF8000  }
0xe4: {  	[spmem:s2] =	stream.indirect.scatter.add.f32 [tilespmem:s11], [sflag:$0x3], $0x20, s29, s9, $0xb8;
	[tilespmem:$0x1EE00] =	vst v63  }
0xe5: {  	s31 =	sadd.s32 $0xFFFFFFFF, s31;
	_ =	swait.ge [sflag:s5], $0x8000  }
0xe6: {  	p1 =	sne.s32 s31, $0x0;
	[sflag:s5] =	ssyncset.done $0x0  }
.Ltmp1:
0xe7: {  	[sflag:s5] =	ssyncadd.s32 $0xFFFF8000;
	(pc) =	sbr.rel @p1 .LBB2_1-.Ltmp1, $4  }
0xe8: {  	[bflag:$0x0] =	sbarrier.arrive $0xFFFF  }
0xe9: {  	s14 =	rddreg [dreg:$0x8]  }
0xea: {  	[hbm:s14], [sflag:s7] =	dma.local [spmem:s30], $0x9E0  }
0xeb: {  	_ =	swait.ge [sflag:s5], $0x9E0  }
.LBB2_2:
0xec: {  	[sflag:s5] =	ssyncset.done $0x0  }
0xed: {  	[sflag:s5] =	ssyncadd.s32 $0xFFFFF620  }
0xee: {  	_ =	sfence.sel $0x180000  }
0xef: {  	[bflag:$0x0] =	sbarrier.arrive $0xFFFF  }
0xf0: {  	_ =	strace $0x9000004D  }
0xf1: {  	s0 =	stileid.u32;
	[bflag:$0x2] =	sbarrier.arrive $0xFFFF  }
0xf2: {  	p0 =	sne.s32 s0, $0x0;
	s0 =	rddreg [dreg:$0x4]  }
0xf3: {  	s0 =	sadd.s32 @!p0 $0x100000, s0  }
0xf4: {  	[sflag:s0] =	ssyncadd.tile.s32 @!p0 $0x1;
	_ =	shalt  }
.Lfunc_end2:
_tile_overlayer_lowered:
.L_overlay_start_2:
0xf5: {  	(tag) =	ssettag $0x2  }
0xf6: {  	s0 =	rddreg [dreg:$0x0];
	s2 =	stileid.u32  }
0xf7: {  	s1 =	rddreg [dreg:$0x1];
	p0 =	sne.s32 s2, $0x0  }
0xf8: {  	s3 =	rddreg [dreg:$0x2];
	[bflag:$0x3] =	sbarrier.arrive $0xFFFF;
	s2 =	simm.s32 @!p0 $0x1C03  }
0xf9: {  	[timem:s3], [sflag:s2] =	dma.local @!p0 [hbm:s0], s1  }
0xfa: {  	s0 =	simm.s32 @!p0 $0x3  }
0xfb: {  	_ =	swait.ge @!p0 [sflag:s0], s1  }
0xfc: {  	s1 =	ssub.s32 @!p0 $0x0, s1;
	[sflag:s0] =	ssyncset.done @!p0 $0x0  }
0xfd: {  	[sflag:s0] =	ssyncadd.s32 @!p0 s1  }
0xfe: {  	[bflag:$0x3] =	sbarrier.arrive $0xFFFF  }
0xff: {  	_ =	shalt  }

// kernel: kernel.8.cloned.1.call-start
scs
__scs_entry_jumppad:
0x0: {  	(pc) =	sbr.rel $0x88, $3  }
0x1: {  	(tag) =	ssettag $0x0;
	lr =	simm.s32 $0x1  }
0x2: {  	[smem:$0x3F99] =	sst lr;
	_ =	strace $0xD0000000  }
0x3: {  	_ = 	snop  }
0x4: {  	_ = 	snop  }
0x5: {  	_ = 	snop  }
0x6: {  	_ = 	snop  }
0x7: {  	_ = 	snop  }
__scs_overlays_trampoline_lowered:
0x8: {  	[smem:$0x3FA8] =	sst s0  }
0x9: {  	[smem:$0x3FA9] =	sst s1  }
0xa: {  	[smem:$0x3FAA] =	sst s2  }
0xb: {  	[smem:$0x3FAB] =	sst s3  }
0xc: {  	[smem:$0x3FAC] =	sst s4  }
0xd: {  	[smem:$0x3FAD] =	sst s5  }
0xe: {  	[smem:$0x3FAE] =	sst s6  }
0xf: {  	[smem:$0x3FAF] =	sst s7  }
0x10: {  	[smem:$0x3FB0] =	sst s8  }
0x11: {  	[smem:$0x3FB1] =	sst s9;
	s0 =	simm.s32 @!p0 $0x0  }
0x12: {  	s1 =	sld [smem:$0x3F97];
	s0 =	simm.s32 @p0 $0x1  }
0x13: {  	[smem:$0x3FB2] =	sst s0;
	s0 =	simm.s32 @!p1 $0x0  }
0x14: {  	s2 =	sld [smem:$0x3F96];
	s0 =	simm.s32 @p1 $0x1  }
0x15: {  	[smem:$0x3FB3] =	sst s0;
	s0 =	simm.s32 @!p2 $0x0  }
0x16: {  	s3 =	sld [smem:$0x3FDB];
	s0 =	simm.s32 @p2 $0x1  }
0x17: {  	s4 =	simm.s32 $0x1BF5;
	[smem:$0x3FB5] =	sst s0  }
0x18: {  	s0 =	sld [smem:$0x3F98];
	_ =	swait.ge [sflag:s4], $0x0  }
0x19: {  	s7 =	sld [smem:$0x3F99]  }
0x1a: {  	s8 =	sadd.s32 $0xFFFFE003, lr  }
0x1b: {  	s9 =	sadd.s32 $0xFFFFFEF7, lr;
	s5 =	simm.s32 $0xFFFFFFFF;
	p2 =	slt.u32 s8, $0xFFFFF086  }
0x1c: {  	p1 =	slt.u32 s9, $0xF7A;
	s5 =	simm.s32 @!p2 $0x0  }
0x1d: {  	s5 =	simm.s32 @p1 $0x1;
	p0 =	seq.s32 s7, s2  }
0x1e: {  	s7 =	smul.u32 @!p0 $0xF7A, s2;
	p2 =	seq.s32 @!p0 s5, $0x0  }
0x1f: {  	s9 =	smul.u32 $0xF7A, s1;
	s8 =	simm.s32 @!p0 $0x1BF5;
	p2 =	por !p2, p0  }
0x20: {  	[sflag:s8] =	ssyncset.s32 @!p0 $0xFFFFF086;
	s6 =	sadd.s32 @!p0 s3, s7;
	s7 =	simm.s32 @!p0 $0x108  }
0x21: {  	s3 =	sadd.s32 s3, s9;
	s6 =	sadd.s32 @!p0 $0x88, s6;
	s7 =	simm.s32 @p2 $0x1082  }
0x22: {  	[simem:s7], [sflag:s8] =	dma.local @!p0 [hbm:s6], $0xF7A  }
0x23: {  	s9 =	sor.u32 $0xD0000000, s2;
	s6 =	simm.s32 $0x108;
	_ =	swait.ge @!p0 [sflag:s8], $0x0  }
0x24: {  	s3 =	sadd.s32 $0x88, s3;
	s6 =	simm.s32 @!p1 $0x1082;
	[sflag:s4] =	ssyncset.s32 $0xFFFFF086  }
0x25: {  	[simem:s6], [sflag:s4] =	dma.local [hbm:s3], $0xF7A  }
0x26: {  	[smem:$0x3F99] =	sst s1;
	(tag) =	ssettag s2;
	_ =	strace s9  }
0x27: {  	s1 =	sld [smem:$0x3FA9]  }
0x28: {  	s2 =	sld [smem:$0x3FAA]  }
0x29: {  	s4 =	sld [smem:$0x3FAC]  }
0x2a: {  	p0 =	seq.s32 s5, $0x0;
	s5 =	sld [smem:$0x3FAD]  }
0x2b: {  	s6 =	sld [smem:$0x3FAE]  }
0x2c: {  	s7 =	sld [smem:$0x3FAF]  }
0x2d: {  	s3 =	simm.s32 $0x108;
	s8 =	sld [smem:$0x3FB0]  }
0x2e: {  	s3 =	simm.s32 @!p0 $0x1082;
	s9 =	sld [smem:$0x3FB1]  }
0x2f: {  	lr =	sadd.s32 s0, s3;
	s0 =	sld [smem:$0x3FA8]  }
0x30: {  	s3 =	sld [smem:$0x3FAB]  }
0x31: {  	[smem:$0x3FB4] =	sst s10  }
0x32: {  	s10 =	sld [smem:$0x3FB2];
	_ =	sdelay $0x3  }
0x33: {  	p0 =	seq.s32 s10, $0x1;
	s10 =	sld [smem:$0x3FB4];
	_ =	sdelay $0x3  }
0x34: {  	[smem:$0x3FB4] =	sst s10  }
0x35: {  	s10 =	sld [smem:$0x3FB3];
	_ =	sdelay $0x3  }
0x36: {  	p1 =	seq.s32 s10, $0x1;
	s10 =	sld [smem:$0x3FB4];
	_ =	sdelay $0x3  }
0x37: {  	[smem:$0x3FB4] =	sst s10  }
0x38: {  	s10 =	sld [smem:$0x3FB5]  }
0x39: {  	_ = 	snop;
	(pc) =	sbr.ind lr, $3  }
0x3a: {  	_ = 	snop  }
0x3b: {  	_ = 	snop  }
0x3c: {  	p2 =	seq.s32 s10, $0x1;
	s10 =	sld [smem:$0x3FB4]  }
0x3d: {  	_ =	shalt  }
0x3e: {  	_ =	shalt  }
0x3f: {  	_ =	shalt  }
0x40: {  	_ =	shalt  }
0x41: {  	_ =	shalt  }
0x42: {  	_ =	shalt  }
0x43: {  	_ =	shalt  }
0x44: {  	_ =	shalt  }
0x45: {  	_ =	shalt  }
0x46: {  	_ =	shalt  }
0x47: {  	_ =	shalt  }
0x48: {  	_ =	shalt  }
0x49: {  	_ =	shalt  }
0x4a: {  	_ =	shalt  }
0x4b: {  	_ =	shalt  }
0x4c: {  	_ =	shalt  }
0x4d: {  	_ =	shalt  }
0x4e: {  	_ =	shalt  }
0x4f: {  	_ =	shalt  }
0x50: {  	_ =	shalt  }
0x51: {  	_ =	shalt  }
0x52: {  	_ =	shalt  }
0x53: {  	_ =	shalt  }
0x54: {  	_ =	shalt  }
0x55: {  	_ =	shalt  }
0x56: {  	_ =	shalt  }
0x57: {  	_ =	shalt  }
0x58: {  	_ =	shalt  }
0x59: {  	_ =	shalt  }
0x5a: {  	_ =	shalt  }
0x5b: {  	_ =	shalt  }
0x5c: {  	_ =	shalt  }
0x5d: {  	_ =	shalt  }
0x5e: {  	_ =	shalt  }
0x5f: {  	_ =	shalt  }
0x60: {  	_ =	shalt  }
0x61: {  	_ =	shalt  }
0x62: {  	_ =	shalt  }
0x63: {  	_ =	shalt  }
0x64: {  	_ =	shalt  }
0x65: {  	_ =	shalt  }
0x66: {  	_ =	shalt  }
0x67: {  	_ =	shalt  }
0x68: {  	_ =	shalt  }
0x69: {  	_ =	shalt  }
0x6a: {  	_ =	shalt  }
0x6b: {  	_ =	shalt  }
0x6c: {  	_ =	shalt  }
0x6d: {  	_ =	shalt  }
0x6e: {  	_ =	shalt  }
0x6f: {  	_ =	shalt  }
0x70: {  	_ =	shalt  }
0x71: {  	_ =	shalt  }
0x72: {  	_ =	shalt  }
0x73: {  	_ =	shalt  }
0x74: {  	_ =	shalt  }
0x75: {  	_ =	shalt  }
0x76: {  	_ =	shalt  }
0x77: {  	_ =	shalt  }
0x78: {  	_ =	shalt  }
0x79: {  	_ =	shalt  }
0x7a: {  	_ =	shalt  }
0x7b: {  	_ =	shalt  }
0x7c: {  	_ =	shalt  }
0x7d: {  	_ =	shalt  }
0x7e: {  	_ =	shalt  }
0x7f: {  	_ =	shalt  }
0x80: {  	_ =	shalt  }
0x81: {  	_ =	shalt  }
0x82: {  	_ =	shalt  }
0x83: {  	_ =	shalt  }
0x84: {  	_ =	shalt  }
0x85: {  	_ =	shalt  }
0x86: {  	_ =	shalt  }
0x87: {  	_ =	shalt  }
.Lfunc_end0:
.L_simem_size_0:
called_computation_lowered:
.L_overlay_start_0:
0x88: {  	s2 =	sld [smem:$0x3FD9]  }
0x89: {  	s3 =	sld [smem:$0x3FFE];
	_ =	sdelay $0x1  }
0x8a: {  	s1 =	srdreg.scid  }
0x8b: {  	s0 =	sand.u32 $0x1, s1  }
0x8c: {  	s14 =	sshll.u32 s0, $0xA;
	s2 =	sadd.s32 s3, s2  }
0x8d: {  	s2 =	sadd.s32 s2, s14  }
0x8e: {  	[smem:$0x3FC0] =	sst s2  }
0x8f: {  	_ = 	snop  }
0x90: {  	s2 =	sld [smem:$0x3FD0];
	_ =	sdelay $0x2  }
0x91: {  	s15 =	simm.s32 $0xA;
	s4 =	simm.s32 $0x10  }
0x92: {  	[smem:s4], [sflag:s15] =	dma.local [hbm:s2], $0x1  }
0x93: {  	_ =	swait.eq [sflag:s15], $0x1  }
0x94: {  	[sflag:s15] =	ssyncset.done $0x0  }
0x95: {  	s16 =	sld [smem:$0x10];
	[sflag:s15] =	ssyncadd.s32 $0xFFFFFFFF  }
0x96: {  	s17 =	sld [smem:$0x11];
	(tm) =	ssettm $0x1  }
0x97: {  	s18 =	sld [smem:$0x3FFB];
	_ =	sdelay $0x3  }
0x98: {  	_ =	strace s18  }
0x99: {  	s4 =	sld [smem:$0x3FFC];
	_ =	sdelay $0x3  }
0x9a: {  	_ =	strace s4  }
0x9b: {  	s4 =	sld [smem:$0x3FFD];
	_ =	sdelay $0x3  }
0x9c: {  	_ =	strace s4  }
0x9d: {  	_ =	strace $0x8FFFFFFF  }
0x9e: {  	s19 =	sld [smem:$0x3FDB];
	_ =	sdelay $0x1  }
0x9f: {  	s5 =	simm.s32 $_scs_section_size  }
0xa0: {  	s6 =	simm.s32 $_size__tile_overlayer_lowered;
	s7 =	simm.s32 $_tile_overlayer_lowered  }
0xa1: {  	s22 =	simm.s32 $0x1BFF;
	s21 =	sshll.u32 s7, $0x1;
	s4 =	sadd.s32 s5, s19  }
0xa2: {  	s8 =	simm.s32 $0x0;
	s20 =	sshll.u32 s6, $0x1;
	s6 =	sadd.s32 s21, s4  }
0xa3: {  	[timem:s8], [sflag:s22] =	dma.local [hbm:s6], s20  }
0xa4: {  	_ =	swait.ge [sflag:s22], s20  }
0xa5: {  	s5 =	ssub.s32 $0x0, s20;
	[sflag:s22] =	ssyncset.done $0x0  }
0xa6: {  	[sflag:s22] =	ssyncadd.s32 s5;
	_ =	sdelay $0x1  }
0xa7: {  	s23 =	simm.s32 $0x1B8B  }
0xa8: {  	_ =	swait.ge [sflag:s23], $0x1  }
0xa9: {  	[sflag:s23] =	ssyncset.done $0x0  }
0xaa: {  	s25 =	simm.s32 $0x1B8E;
	s24 =	sld [smem:$0x3FFE];
	[sflag:s23] =	ssyncadd.s32 $0xFFFFFFFF  }
0xab: {  	s26 =	simm.s32 $execute0_lowered;
	[smem:$0x3FD2] =	sst s25  }
0xac: {  	s6 =	sshll.u32 s26, $0x1;
	_ =	strace $0x80000046;
	[dreg:$0x1] =	wrdreg $0xFFFFFFFF  }
0xad: {  	s28 =	simm.s32 $_size_execute0_lowered;
	s4 =	sadd.s32 s4, s6;
	[dreg:$0x0] =	wrdreg $0x0  }
0xae: {  	s6 =	sshll.u32 s28, $0x1;
	[dreg:$0x2] =	wrdreg s4  }
0xaf: {  	[dreg:$0x3] =	wrdreg s6  }
0xb0: {  	[dreg:$0x4] =	wrdreg $0xC0  }
0xb1: {  	_ =	task [dreg:s8], $0x5FFFF  }
0xb2: {  	[dreg:$0x1] =	wrdreg $0xFFFFFFFF  }
0xb3: {  	[dreg:$0x0] =	wrdreg $0x60  }
0xb4: {  	[dreg:$0x2] =	wrdreg s16  }
0xb5: {  	[dreg:$0x3] =	wrdreg s24  }
0xb6: {  	[dreg:$0x4] =	wrdreg s17  }
0xb7: {  	[dreg:$0x5] =	wrdreg $0x2C000  }
0xb8: {  	[dreg:$0x6] =	wrdreg $0x9  }
0xb9: {  	_ =	task.clear_ibuf [dreg:s8], $0x7FFFF;
	_ =	strace $0x90000046  }
0xba: {  	s29 =	simm.s32 $0x9;
	_ =	strace $0x80000048  }
0xbb: {  	_ =	swait.ge [sflag:s29], $0x1  }
0xbc: {  	[sflag:s29] =	ssyncadd.s32 $0xFFFFFFFF  }
0xbd: {  	_ =	strace $0x90000048  }
0xbe: {  	_ =	sfence  }
0xbf: {  	s30 =	sld [smem:$0x0];
	_ =	sdelay $0x2  }
0xc0: {  	s31 =	sshll.u32 s1, $0xD;
	s1 =	sshrl.u32 s1, $0x2  }
0xc1: {  	s3 =	sand.u32 $0x4000, s31;
	s1 =	sadd.s32 s1, s30  }
0xc2: {  	s0 =	sor.u32 s3, s0;
	s1 =	sshll.u32 s1, $0x11  }
0xc3: {  	s0 =	sor.u32 s1, s0  }
0xc4: {  	s0 =	sadd.s32 $0x8F2B, s0  }
0xc5: {  	[sflag:s0] =	ssyncadd.remote.s32 $0x1  }
0xc6: {  	_ =	sfence.sel $0xFFFF  }
0xc7: {  	[dreg:$0x0] =	wrdreg $0xFFFFFFFF;
	(pc) =	sbr.abs _section_cstart, $3  }
0xc8: {  	[dreg:$0x1] =	wrdreg $0xFFFFFFFF  }
0xc9: {  	_ =	task.clear_ibuf [dreg:s8], $0x2FFFF;
	_ =	strace $0x9FFFFFFF  }
0xca: {  	(tm) =	ssettm $0x7FFFFFFF  }
0xcb: {  	_ =	shalt  }
tec
execute0_lowered:
.L_overlay_start_1:
0x0: {  	(tag) =	ssettag $0x1  }
0x1: {  	s1 =	rddreg [dreg:$0x0]  }
0x2: {  	s6 =	rddreg [dreg:$0x1]  }
0x3: {  	s0 =	srdreg.scid;
	s7 =	rddreg [dreg:$0x2]  }
0x4: {  	s3 =	rddreg [dreg:$0x3];
	s4 =	simm.s32 $0x0;
	s12 =	simm.s32 $0x2800  }
0x5: {  	s13 =	simm.s32 $0x800;
	s14 =	simm.s32 $0xC00;
	s15 =	simm.s32 $0x1000  }
0x6: {  	s16 =	simm.s32 $0x1400;
	s17 =	simm.s32 $0x1800;
	s18 =	simm.s32 $0x1C00  }
0x7: {  	s19 =	simm.s32 $0x2000;
	s5 =	sand.u32 $0x1, s0;
	s0 =	stileid.u32  }
0x8: {  	s20 =	simm.s32 $0x2400;
	[smem:$0x7FF] =	sst s4;
	s9 =	smul.u32 $0x278, s0  }
0x9: {  	s2 =	sshll.u32 s5, $0x4;
	s10 =	ssub.s32 $0x2, s5;
	s5 =	smul.u32 $0x2780, s5  }
0xa: {  	s30 =	sshll.u32 s0, $0x6;
	s2 =	sor.u32 s0, s2;
	s29 =	sshrl.u32 s10, $0x1  }
0xb: {  	s8 =	smul.u32 $0x500, s2;
	s2 =	rddreg [dreg:$0x4];
	_ =	strace $0x80000047  }
0xc: {  	s11 =	sadd.s32 s9, s5;
	s9 =	sadd.s32 s9, s3;
	s5 =	sor.u32 $0x1C01, s30  }
0xd: {  	s31 =	sshrl.u32 s11, $0x3;
	s9 =	sshrl.u32 s9, $0x3;
	s11 =	simm.s32 $0x400  }
0xe: {  	s6 =	sadd.s32 s8, s6;
	s8 =	ssub.s32 s10, s29;
	s7 =	sadd.s32 s7, s31  }
0xf: {  	v0 =	vimm.f32 $1.000000000e+00;
	s10 =	simm.s32 $0x1;
	s6 =	sadd.s32 $0x1A00, s6;
	s8 =	smax.u32 s8, $0x1  }
.LBB2_1:
0x10: {  	[spmem:s9], [sflag:s5] =	dma.local [hbm:s1], $0x4F  }
0x11: {  	_ =	swait.ge [sflag:s10], $0x4F  }
0x12: {  	[sflag:s10] =	ssyncset.done $0x0  }
0x13: {  	[sflag:s10] =	ssyncadd.s32 $0xFFFFFFB1  }
0x14: {  	[tilespmem:s4], [sflag:$0x1] =	stream.linear.gather [hbm4b:s6+s4], $0x2800, $0x38;
	[tilespmem:$0x2E78] =	vst v63  }
0x15: {  	_ =	swait.ge [sflag:s10], $0x2800  }
0x16: {  	[sflag:s10] =	ssyncset.done $0x0  }
0x17: {  	[sflag:s10] =	ssyncadd.s32 $0xFFFFD800  }
0x18: {  	[tilespmem:$0x2800] =	vst v0  }
0x19: {  	[tilespmem:$0x2810] =	vst v0  }
0x1a: {  	[tilespmem:$0x2820] =	vst v0  }
0x1b: {  	[tilespmem:$0x2830] =	vst v0  }
0x1c: {  	[tilespmem:$0x2840] =	vst v0  }
0x1d: {  	[tilespmem:$0x2850] =	vst v0  }
0x1e: {  	[tilespmem:$0x2860] =	vst v0  }
0x1f: {  	[tilespmem:$0x2870] =	vst v0  }
0x20: {  	[tilespmem:$0x2880] =	vst v0  }
0x21: {  	[tilespmem:$0x2890] =	vst v0  }
0x22: {  	[tilespmem:$0x28A0] =	vst v0  }
0x23: {  	[tilespmem:$0x28B0] =	vst v0  }
0x24: {  	[tilespmem:$0x28C0] =	vst v0  }
0x25: {  	[tilespmem:$0x28D0] =	vst v0  }
0x26: {  	[tilespmem:$0x28E0] =	vst v0  }
0x27: {  	[tilespmem:$0x28F0] =	vst v0  }
0x28: {  	[tilespmem:$0x2900] =	vst v0  }
0x29: {  	[tilespmem:$0x2910] =	vst v0  }
0x2a: {  	[tilespmem:$0x2920] =	vst v0  }
0x2b: {  	[tilespmem:$0x2930] =	vst v0  }
0x2c: {  	[tilespmem:$0x2940] =	vst v0  }
0x2d: {  	[tilespmem:$0x2950] =	vst v0  }
0x2e: {  	[tilespmem:$0x2960] =	vst v0  }
0x2f: {  	[tilespmem:$0x2970] =	vst v0  }
0x30: {  	[tilespmem:$0x2980] =	vst v0  }
0x31: {  	[tilespmem:$0x2990] =	vst v0  }
0x32: {  	[tilespmem:$0x29A0] =	vst v0  }
0x33: {  	[tilespmem:$0x29B0] =	vst v0  }
0x34: {  	[tilespmem:$0x29C0] =	vst v0  }
0x35: {  	[tilespmem:$0x29D0] =	vst v0  }
0x36: {  	[tilespmem:$0x29E0] =	vst v0  }
0x37: {  	[tilespmem:$0x29F0] =	vst v0  }
0x38: {  	[tilespmem:$0x2A00] =	vst v0  }
0x39: {  	[tilespmem:$0x2A10] =	vst v0  }
0x3a: {  	[tilespmem:$0x2A20] =	vst v0  }
0x3b: {  	[tilespmem:$0x2A30] =	vst v0  }
0x3c: {  	[tilespmem:$0x2A40] =	vst v0  }
0x3d: {  	[tilespmem:$0x2A50] =	vst v0  }
0x3e: {  	[tilespmem:$0x2A60] =	vst v0  }
0x3f: {  	[tilespmem:$0x2A70] =	vst v0  }
0x40: {  	[tilespmem:$0x2A80] =	vst v0  }
0x41: {  	[tilespmem:$0x2A90] =	vst v0  }
0x42: {  	[tilespmem:$0x2AA0] =	vst v0  }
0x43: {  	[tilespmem:$0x2AB0] =	vst v0  }
0x44: {  	[tilespmem:$0x2AC0] =	vst v0  }
0x45: {  	[tilespmem:$0x2AD0] =	vst v0  }
0x46: {  	[tilespmem:$0x2AE0] =	vst v0  }
0x47: {  	[tilespmem:$0x2AF0] =	vst v0  }
0x48: {  	[tilespmem:$0x2B00] =	vst v0  }
0x49: {  	[tilespmem:$0x2B10] =	vst v0  }
0x4a: {  	[tilespmem:$0x2B20] =	vst v0  }
0x4b: {  	[tilespmem:$0x2B30] =	vst v0  }
0x4c: {  	[tilespmem:$0x2B40] =	vst v0  }
0x4d: {  	[tilespmem:$0x2B50] =	vst v0  }
0x4e: {  	[tilespmem:$0x2B60] =	vst v0  }
0x4f: {  	[tilespmem:$0x2B70] =	vst v0  }
0x50: {  	[tilespmem:$0x2B80] =	vst v0  }
0x51: {  	[tilespmem:$0x2B90] =	vst v0  }
0x52: {  	[tilespmem:$0x2BA0] =	vst v0  }
0x53: {  	[tilespmem:$0x2BB0] =	vst v0  }
0x54: {  	[tilespmem:$0x2BC0] =	vst v0  }
0x55: {  	[tilespmem:$0x2BD0] =	vst v0  }
0x56: {  	[tilespmem:$0x2BE0] =	vst v0  }
0x57: {  	[tilespmem:$0x2BF0] =	vst v0  }
0x58: {  	[bflag:$0x0] =	sbarrier.arrive $0xFFFF  }
0x59: {  	[spmem:s3] =	stream.indirect.scatter.add.f32 [tilespmem:s12], [sflag:$0x1], $0x1, s4, s11, $0xb8;
	[tilespmem:$0x2E78] =	vst v63  }
0x5a: {  	_ =	swait.ge [sflag:s10], $0x400  }
0x5b: {  	[sflag:s10] =	ssyncset.done $0x0  }
0x5c: {  	[sflag:s10] =	ssyncadd.s32 $0xFFFFFC00  }
0x5d: {  	[spmem:s3] =	stream.indirect.scatter.add.f32 [tilespmem:s12], [sflag:$0x1], $0x1, s11, s11, $0xb8;
	[tilespmem:$0x2E78] =	vst v63  }
0x5e: {  	_ =	swait.ge [sflag:s10], $0x400  }
0x5f: {  	[sflag:s10] =	ssyncset.done $0x0  }
0x60: {  	[sflag:s10] =	ssyncadd.s32 $0xFFFFFC00  }
0x61: {  	[spmem:s3] =	stream.indirect.scatter.add.f32 [tilespmem:s12], [sflag:$0x1], $0x1, s13, s11, $0xb8;
	[tilespmem:$0x2E78] =	vst v63  }
0x62: {  	_ =	swait.ge [sflag:s10], $0x400  }
0x63: {  	[sflag:s10] =	ssyncset.done $0x0  }
0x64: {  	[sflag:s10] =	ssyncadd.s32 $0xFFFFFC00  }
0x65: {  	[spmem:s3] =	stream.indirect.scatter.add.f32 [tilespmem:s12], [sflag:$0x1], $0x1, s14, s11, $0xb8;
	[tilespmem:$0x2E78] =	vst v63  }
0x66: {  	_ =	swait.ge [sflag:s10], $0x400  }
0x67: {  	[sflag:s10] =	ssyncset.done $0x0  }
0x68: {  	[sflag:s10] =	ssyncadd.s32 $0xFFFFFC00  }
0x69: {  	[spmem:s3] =	stream.indirect.scatter.add.f32 [tilespmem:s12], [sflag:$0x1], $0x1, s15, s11, $0xb8;
	[tilespmem:$0x2E78] =	vst v63  }
0x6a: {  	_ =	swait.ge [sflag:s10], $0x400  }
0x6b: {  	[sflag:s10] =	ssyncset.done $0x0  }
0x6c: {  	[sflag:s10] =	ssyncadd.s32 $0xFFFFFC00  }
0x6d: {  	[spmem:s3] =	stream.indirect.scatter.add.f32 [tilespmem:s12], [sflag:$0x1], $0x1, s16, s11, $0xb8;
	[tilespmem:$0x2E78] =	vst v63  }
0x6e: {  	_ =	swait.ge [sflag:s10], $0x400  }
0x6f: {  	[sflag:s10] =	ssyncset.done $0x0  }
0x70: {  	[sflag:s10] =	ssyncadd.s32 $0xFFFFFC00  }
0x71: {  	[spmem:s3] =	stream.indirect.scatter.add.f32 [tilespmem:s12], [sflag:$0x1], $0x1, s17, s11, $0xb8;
	[tilespmem:$0x2E78] =	vst v63  }
0x72: {  	_ =	swait.ge [sflag:s10], $0x400  }
0x73: {  	[sflag:s10] =	ssyncset.done $0x0  }
0x74: {  	[sflag:s10] =	ssyncadd.s32 $0xFFFFFC00  }
0x75: {  	[spmem:s3] =	stream.indirect.scatter.add.f32 [tilespmem:s12], [sflag:$0x1], $0x1, s18, s11, $0xb8;
	[tilespmem:$0x2E78] =	vst v63  }
0x76: {  	_ =	swait.ge [sflag:s10], $0x400  }
0x77: {  	[sflag:s10] =	ssyncset.done $0x0  }
0x78: {  	[sflag:s10] =	ssyncadd.s32 $0xFFFFFC00  }
0x79: {  	[spmem:s3] =	stream.indirect.scatter.add.f32 [tilespmem:s12], [sflag:$0x1], $0x1, s19, s11, $0xb8;
	[tilespmem:$0x2E78] =	vst v63  }
0x7a: {  	_ =	swait.ge [sflag:s10], $0x400  }
0x7b: {  	[sflag:s10] =	ssyncset.done $0x0  }
0x7c: {  	[sflag:s10] =	ssyncadd.s32 $0xFFFFFC00  }
0x7d: {  	[spmem:s3] =	stream.indirect.scatter.add.f32 [tilespmem:s12], [sflag:$0x1], $0x1, s20, s11, $0xb8;
	[tilespmem:$0x2E78] =	vst v63  }
0x7e: {  	_ =	swait.ge [sflag:s10], $0x400  }
0x7f: {  	[sflag:s10] =	ssyncset.done $0x0  }
0x80: {  	p0 =	sne.s32 s8, $0x1;
	[sflag:s10] =	ssyncadd.s32 $0xFFFFFC00  }
.Ltmp0:
0x81: {  	[bflag:$0x0] =	sbarrier.arrive $0xFFFF;
	(pc) =	sbr.rel @p0 .LBB2_1-.Ltmp0, $4  }
0x82: {  	[hbm:s7], [sflag:s5] =	dma.local [spmem:s9], $0x4F  }
0x83: {  	_ =	swait.ge [sflag:s10], $0x4F  }
0x84: {  	[sflag:s10] =	ssyncset.done $0x0  }
0x85: {  	s8 =	sadd.s32 $0xFFFFFFFF, s8;
	[sflag:s10] =	ssyncadd.s32 $0xFFFFFFB1  }
0x86: {  	_ =	sfence.sel $0x180000  }
0x87: {  	[bflag:$0x0] =	sbarrier.arrive $0xFFFF  }
0x88: {  	p0 =	sne.s32 s0, $0x0;
	_ =	strace $0x90000047  }
0x89: {  	s0 =	sadd.s32 @!p0 $0x100000, s2;
	[bflag:$0x2] =	sbarrier.arrive $0xFFFF  }
0x8a: {  	[sflag:s0] =	ssyncadd.tile.s32 @!p0 $0x1;
	_ =	shalt  }
.Lfunc_end2:
_tile_overlayer_lowered:
.L_overlay_start_2:
0x8b: {  	(tag) =	ssettag $0x2  }
0x8c: {  	s0 =	rddreg [dreg:$0x0];
	s2 =	stileid.u32  }
0x8d: {  	s1 =	rddreg [dreg:$0x1];
	p0 =	sne.s32 s2, $0x0  }
0x8e: {  	s3 =	rddreg [dreg:$0x2];
	[bflag:$0x3] =	sbarrier.arrive $0xFFFF;
	s2 =	simm.s32 @!p0 $0x1C01  }
0x8f: {  	[timem:s3], [sflag:s2] =	dma.local @!p0 [hbm:s0], s1  }
0x90: {  	s0 =	simm.s32 @!p0 $0x1  }
0x91: {  	_ =	swait.ge @!p0 [sflag:s0], s1  }
0x92: {  	s1 =	ssub.s32 @!p0 $0x0, s1;
	[sflag:s0] =	ssyncset.done @!p0 $0x0  }
0x93: {  	[sflag:s0] =	ssyncadd.s32 @!p0 s1  }
0x94: {  	[bflag:$0x3] =	sbarrier.arrive $0xFFFF  }
0x95: {  	_ =	shalt  }

</sc_bundles>
